<compile_context>
chip_gen: v7x
topology: tpu7x:2x2x1
jax: 0.10.2.dev20260603
libtpu: 0.0.44.dev20260713+nightly
codegen_flags: <defaults>
</compile_context>

<pallas_src>
import functools

import jax
import jax.numpy as jnp
from jax import lax
from jax.experimental import pallas as pl
from jax.experimental.pallas import tpu as pltpu
from jax.experimental.pallas import tpu_sc as plsc

_N = 100000
_E = 6400000
_D = 8
_NC, _NS = 2, 16
_NW = _NC * _NS
_EW = _E // _NW
_W = 2000
_NWIN = _EW // _W
_RT = _N // _NS


def _sc_body(x_hbm, snd_hbm, rcv_hbm, es_hbm, z1_hbm, z2_hbm,
             out_hbm, out2_hbm,
             idx_s0, idx_r0, es_v0, idx_s1, idx_r1, es_v1,
             idx_s2, idx_r2, es_v2, rows0, rows1,
             acc, acc2, gsem0, gsem1, ssem0, ssem1, lsem0, lsem1, lsem2):
    cid = lax.axis_index("c")
    sid = lax.axis_index("s")
    wid = cid * _NS + sid

    lbufs = ((idx_s0, idx_r0, es_v0, lsem0),
             (idx_s1, idx_r1, es_v1, lsem1),
             (idx_s2, idx_r2, es_v2, lsem2))
    rbufs = ((rows0, gsem0, ssem0), (rows1, gsem1, ssem1))

    pltpu.sync_copy(z1_hbm.at[pl.ds(sid * _RT, _RT)],
                    acc.at[pl.ds(sid * _RT, _RT)])
    @pl.when(sid == 0)
    def _():
        pltpu.sync_copy(z2_hbm, acc2)
    plsc.subcore_barrier()

    def _fire_loads(w, j3):
        idx_s, idx_r, es_v, lsem = lbufs[j3]
        base = wid * _EW + w * _W
        pltpu.async_copy(snd_hbm.at[pl.ds(base, _W)], idx_s, lsem)
        pltpu.async_copy(rcv_hbm.at[pl.ds(base, _W)], idx_r, lsem)
        pltpu.async_copy(es_hbm.at[pl.ds(base, _W)], es_v, lsem)

    def _drain_loads(w, j3):
        idx_s, idx_r, es_v, lsem = lbufs[j3]
        base = wid * _EW + w * _W
        pltpu.make_async_copy(snd_hbm.at[pl.ds(base, _W)], idx_s, lsem).wait()
        pltpu.make_async_copy(rcv_hbm.at[pl.ds(base, _W)], idx_r, lsem).wait()
        pltpu.make_async_copy(es_hbm.at[pl.ds(base, _W)], es_v, lsem).wait()

    def _fire_gather(j2, j3):
        rows, gsem, ssem = rbufs[j2]
        pltpu.async_copy(x_hbm.at[lbufs[j3][0]], rows, gsem)

    def _drain_gather(j2, j3):
        rows, gsem, ssem = rbufs[j2]
        pltpu.make_async_copy(x_hbm.at[lbufs[j3][0]], rows, gsem).wait()

    def _fire_scatters(j2, j3):
        rows, gsem, ssem = rbufs[j2]
        idx_r, es_v = lbufs[j3][1], lbufs[j3][2]
        pltpu.async_copy(rows, acc.at[idx_r], ssem, add=True)
        pltpu.async_copy(es_v, acc2.at[idx_r], ssem, add=True)

    def _drain_scatters(j2, j3):
        rows, gsem, ssem = rbufs[j2]
        idx_r, es_v = lbufs[j3][1], lbufs[j3][2]
        pltpu.make_async_copy(rows, acc.at[idx_r], ssem).wait()
        pltpu.make_async_copy(es_v, acc2.at[idx_r], ssem).wait()

    def _phase(w, j2, j3, drain_prev_s, do_loads, do_next_g):
        _drain_gather(j2, j3)
        _fire_scatters(j2, j3)
        if drain_prev_s:
            _drain_scatters(j2 ^ 1, (j3 + 2) % 3)
        if do_loads:
            _fire_loads(w + 2, (j3 + 2) % 3)
        if do_next_g:
            _drain_loads(w + 1, (j3 + 1) % 3)
            _fire_gather(j2 ^ 1, (j3 + 1) % 3)

    _fire_loads(0, 0)
    _fire_loads(1, 1)
    _drain_loads(0, 0)
    _fire_gather(0, 0)
    _phase(0, 0, 0, False, True, True)
    _phase(1, 1, 1, True, True, True)

    def _body(k, w):
        for j in range(6):
            _phase(w + j, j % 2, (2 + j) % 3, True, True, True)
        return w + 6
    w_end = lax.fori_loop(0, (_NWIN - 4) // 6, _body, 2)

    rem = (_NWIN - 4) % 6 + 2
    for j in range(rem):
        w = w_end + j
        _phase(w, j % 2, (2 + j) % 3, True,
               j < rem - 2, j < rem - 1)
    _drain_scatters((rem - 1) % 2, (2 + rem - 1) % 3)

    plsc.subcore_barrier()
    pltpu.sync_copy(acc.at[pl.ds(sid * _RT, _RT)],
                    out_hbm.at[cid, pl.ds(sid * _RT, _RT)])
    @pl.when(sid == 0)
    def _():
        pltpu.sync_copy(acc2, out2_hbm.at[cid])


_sc_call = functools.partial(
    pl.kernel,
    out_type=(jax.ShapeDtypeStruct((_NC, _N, _D), jnp.float32),
              jax.ShapeDtypeStruct((_NC, _N), jnp.float32)),
    mesh=plsc.VectorSubcoreMesh(core_axis_name="c", subcore_axis_name="s"),
    scratch_types=[
        pltpu.VMEM((_W,), jnp.int32),
        pltpu.VMEM((_W,), jnp.int32),
        pltpu.VMEM((_W,), jnp.float32),
        pltpu.VMEM((_W,), jnp.int32),
        pltpu.VMEM((_W,), jnp.int32),
        pltpu.VMEM((_W,), jnp.float32),
        pltpu.VMEM((_W,), jnp.int32),
        pltpu.VMEM((_W,), jnp.int32),
        pltpu.VMEM((_W,), jnp.float32),
        pltpu.VMEM((_W, _D), jnp.float32),
        pltpu.VMEM((_W, _D), jnp.float32),
        pltpu.VMEM_SHARED((_N, _D), jnp.float32),
        pltpu.VMEM_SHARED((_N,), jnp.float32),
        pltpu.SemaphoreType.DMA,
        pltpu.SemaphoreType.DMA,
        pltpu.SemaphoreType.DMA,
        pltpu.SemaphoreType.DMA,
        pltpu.SemaphoreType.DMA,
        pltpu.SemaphoreType.DMA,
        pltpu.SemaphoreType.DMA,
    ],
    compiler_params=pltpu.CompilerParams(use_tc_tiling_on_sc=False,
                                         needs_layout_passes=False),
)(_sc_body)


_NB = 12800


def _combine_body(q_ref, acc_ref, se_ref, wm_ref, g_ref, a_ref, c_ref, o_ref):
    s = acc_ref[0] + acc_ref[1]
    m = lax.dot_general(wm_ref[...], s,
                        dimension_numbers=(((1,), (1,)), ((), ())),
                        preferred_element_type=jnp.float32)
    se = se_ref[0:1] + se_ref[1:2]
    o_ref[...] = a_ref[...] * q_ref[...] + m + g_ref[...] * se + c_ref[...]


def _combine(q, acc, se, wm, g, a, c):
    grid = (pl.cdiv(_N, _NB),)
    return pl.pallas_call(
        _combine_body,
        grid=grid,
        in_specs=[
            pl.BlockSpec((8, _NB), lambda i: (0, i)),
            pl.BlockSpec((_NC, _NB, _D), lambda i: (0, i, 0)),
            pl.BlockSpec((_NC, _NB), lambda i: (0, i)),
            pl.BlockSpec((8, _D), lambda i: (0, 0)),
            pl.BlockSpec((8, 1), lambda i: (0, 0)),
            pl.BlockSpec((8, 1), lambda i: (0, 0)),
            pl.BlockSpec((8, 1), lambda i: (0, 0)),
        ],
        out_specs=pl.BlockSpec((8, _NB), lambda i: (0, i)),
        out_shape=jax.ShapeDtypeStruct((8, _N), jnp.float32),
    )(q, acc, se, wm, g, a, c)


def kernel(q, edges, senders, receivers, dt, w_self, w_msg, w_edge,
           w_aux, w_coarse, w_gate, b):
    xt = q.T
    snd2 = senders.astype(jnp.int32)
    rcv2 = receivers.astype(jnp.int32)
    z1 = jnp.zeros((_N, _D), jnp.float32)
    z2 = jnp.zeros((_N,), jnp.float32)

    es = edges[:, 0]
    acc, se = _sc_call(xt, snd2, rcv2, es, z1, z2)

    wm = dt[0] * w_msg[:, None] * jnp.eye(8, dtype=jnp.float32)
    g = (dt[0] * w_msg * w_edge)[:, None]
    a = (dt[0] * w_self)[:, None]
    c = (dt[0] * b)[:, None]

    return _combine(q, acc, se, wm, g, a, c)

# --- scband reference (transcript-rebuilt; emitter-appended) ---
"""Pipeline reference for scband-delta-qgnn-79250736545857 (READ-ONLY COPY).

The authoritative reference and input builder live on the scoring server;
editing this copy changes nothing except your own understanding.
"""

import jax, jax.numpy as jnp
import numpy as np

N_FIELDS = 8
N_NODES = 100000
N_EDGES = 6400000
D_EDGE = 4


def setup_inputs(seed: int = 0) -> dict:
    key = jax.random.key(seed)
    k1, k2, k3, k4, k5 = jax.random.split(key, 5)
    q = jax.random.normal(k1, (N_FIELDS, N_NODES), dtype=jnp.float32)
    edges = jax.random.normal(k2, (N_EDGES, D_EDGE), dtype=jnp.float32)
    senders = jax.random.randint(k3, (N_EDGES,), 0, N_NODES, dtype=jnp.int64 if jax.config.jax_enable_x64 else jnp.int32)
    receivers = jax.random.randint(k4, (N_EDGES,), 0, N_NODES, dtype=jnp.int64 if jax.config.jax_enable_x64 else jnp.int32)
    dt = jax.random.uniform(k5, (1,), dtype=jnp.float32)
    # learned parameters per __init__
    w_self = jnp.linspace(0.05, 0.09, N_FIELDS, dtype=jnp.float32)
    w_msg = jnp.linspace(0.02, 0.04, N_FIELDS, dtype=jnp.float32)
    w_edge = jnp.linspace(0.01, 0.03, N_FIELDS, dtype=jnp.float32)
    w_aux = jnp.linspace(0.015, 0.025, N_FIELDS, dtype=jnp.float32)
    w_coarse = jnp.linspace(0.02, 0.05, N_FIELDS, dtype=jnp.float32)
    w_gate = jnp.linspace(0.8, 1.2, N_FIELDS, dtype=jnp.float32)
    b = jnp.linspace(0.005, 0.008, N_FIELDS, dtype=jnp.float32)
    return {"q": q, "edges": edges, "senders": senders, "receivers": receivers, "dt": dt,
            "w_self": w_self, "w_msg": w_msg, "w_edge": w_edge, "w_aux": w_aux,
            "w_coarse": w_coarse, "w_gate": w_gate, "b": b}


def reference(q, edges, senders, receivers, dt, w_self, w_msg, w_edge, w_aux, w_coarse, w_gate, b):
    edge_scalar = edges[:, 0]
    num_nodes = q.shape[1]
    dqs = []
    for i in range(q.shape[0]):
        msg_in = q[i, senders] + w_edge[i] * edge_scalar
        msg = jax.ops.segment_sum(msg_in, receivers, num_segments=num_nodes)
        rhs = w_self[i] * q[i] + w_msg[i] * msg + b[i]
        dqs.append(dt * rhs)
    return jnp.stack(dqs, axis=0)

if __name__ == "__main__":
    import jax
    _d = setup_inputs()
    print(jax.jit(kernel)(*tuple(_d.values())))

</pallas_src>

<mosaic_0001>
#map = affine_map<(d0, d1) -> (0, 0)>
#map1 = affine_map<(d0, d1) -> (0)>
#map2 = affine_map<(d0, d1) -> (0, 0, 0)>
module attributes {stable_mosaic.version = 14 : i64} {
  func.func @_sc_body(%arg0: i32, %arg1: i32, %arg2: memref<100000x8xf32, #tpu.memory_space<hbm>>, %arg3: memref<6400000xi32, #tpu.memory_space<hbm>>, %arg4: memref<6400000xi32, #tpu.memory_space<hbm>>, %arg5: memref<6400000xf32, #tpu.memory_space<hbm>>, %arg6: memref<100000x8xf32, #tpu.memory_space<hbm>>, %arg7: memref<100000xf32, #tpu.memory_space<hbm>>, %arg8: memref<2x100000x8xf32, #tpu.memory_space<hbm>>, %arg9: memref<2x100000xf32, #tpu.memory_space<hbm>>, %arg10: memref<2000xi32, #tpu.memory_space<vmem>>, %arg11: memref<2000xi32, #tpu.memory_space<vmem>>, %arg12: memref<2000xf32, #tpu.memory_space<vmem>>, %arg13: memref<2000xi32, #tpu.memory_space<vmem>>, %arg14: memref<2000xi32, #tpu.memory_space<vmem>>, %arg15: memref<2000xf32, #tpu.memory_space<vmem>>, %arg16: memref<2000xi32, #tpu.memory_space<vmem>>, %arg17: memref<2000xi32, #tpu.memory_space<vmem>>, %arg18: memref<2000xf32, #tpu.memory_space<vmem>>, %arg19: memref<2000x8xf32, #tpu.memory_space<vmem>>, %arg20: memref<2000x8xf32, #tpu.memory_space<vmem>>, %arg21: memref<100000x8xf32, #tpu.memory_space<vmem_shared>>, %arg22: memref<100000xf32, #tpu.memory_space<vmem_shared>>, %arg23: memref<!tpu.dma_semaphore, #tpu.memory_space<semaphore_mem>>, %arg24: memref<!tpu.dma_semaphore, #tpu.memory_space<semaphore_mem>>, %arg25: memref<!tpu.dma_semaphore, #tpu.memory_space<semaphore_mem>>, %arg26: memref<!tpu.dma_semaphore, #tpu.memory_space<semaphore_mem>>, %arg27: memref<!tpu.dma_semaphore, #tpu.memory_space<semaphore_mem>>, %arg28: memref<!tpu.dma_semaphore, #tpu.memory_space<semaphore_mem>>, %arg29: memref<!tpu.dma_semaphore, #tpu.memory_space<semaphore_mem>>) attributes {dimension_semantics = [#tpu.dimension_semantics<core_parallel>, #tpu.dimension_semantics<subcore_parallel>], iteration_bounds = array<i64: 2, 16>, scalar_prefetch = 0 : i64, scratch_operands = 20 : i64, tpu.core_type = #tpu.core_type<sc_vector_subcore>, window_params = [{transform_indices = #map}, {transform_indices = #map1}, {transform_indices = #map1}, {transform_indices = #map1}, {transform_indices = #map}, {transform_indices = #map1}, {transform_indices = #map2}, {transform_indices = #map}]} {
    %mul3A = arith.constant 16 : i32
    %mul3A_0 = arith.muli %arg0, %mul3A : i32
    %add3A = arith.addi %mul3A_0, %arg1 : i32
    %mul3A_1 = arith.constant 6250 : i32
    %mul3A_2 = arith.muli %arg1, %mul3A_1 : i32
    %mul3A_3 = arith.constant 6250 : i32
    %mul3A_4 = arith.muli %arg1, %mul3A_3 : i32
    "tpu.region"() ({
      %run_scoped3A = tpu.sem_alloc : memref<!tpu.dma_semaphore, #tpu.memory_space<semaphore_mem>>
      %dma_start3A_172 = arith.constant 0 : i32
      %dma_start3A_173 = tpu.memref_slice %arg21[%mul3A_4, %dma_start3A_172] : memref<100000x8xf32, #tpu.memory_space<vmem_shared>> -> memref<6250x8xf32, #tpu.memory_space<vmem_shared>>
      %dma_start3A_174 = arith.constant 0 : i32
      %dma_start3A_175 = tpu.memref_slice %arg6[%mul3A_2, %dma_start3A_174] : memref<100000x8xf32, #tpu.memory_space<hbm>> -> memref<6250x8xf32, #tpu.memory_space<hbm>>
      tpu.enqueue_dma source(%dma_start3A_175 : memref<6250x8xf32, #tpu.memory_space<hbm>>) target(%dma_start3A_173 : memref<6250x8xf32, #tpu.memory_space<vmem_shared>>) target_semaphore(%run_scoped3A : memref<!tpu.dma_semaphore, #tpu.memory_space<semaphore_mem>>)
      %dma_wait3A_176 = arith.constant 0 : i32
      %dma_wait3A_177 = tpu.memref_slice %arg21[%mul3A_4, %dma_wait3A_176] : memref<100000x8xf32, #tpu.memory_space<vmem_shared>> -> memref<6250x8xf32, #tpu.memory_space<vmem_shared>>
      %dma_wait3A_178 = arith.constant 0 : i32
      %dma_wait3A_179 = tpu.memref_slice %arg6[%mul3A_2, %dma_wait3A_178] : memref<100000x8xf32, #tpu.memory_space<hbm>> -> memref<6250x8xf32, #tpu.memory_space<hbm>>
      tpu.wait_dma2 semaphore(%run_scoped3A : memref<!tpu.dma_semaphore, #tpu.memory_space<semaphore_mem>>) src(%dma_wait3A_179 : memref<6250x8xf32, #tpu.memory_space<hbm>>) dst(%dma_wait3A_177 : memref<6250x8xf32, #tpu.memory_space<vmem_shared>>)
      tpu.yield
    }) : () -> ()
    %eq3A = arith.constant 0 : i32
    %eq3A_5 = arith.cmpi eq, %arg1, %eq3A : i32
    %convert_element_type3A = arith.extui %eq3A_5 : i1 to i32
    %cond3A = arith.constant 0 : i32
    %cond3A_6 = arith.cmpi ne, %convert_element_type3A, %cond3A : i32
    scf.if %cond3A_6 {
      "tpu.region"() ({
        %run_scoped3A = tpu.sem_alloc : memref<!tpu.dma_semaphore, #tpu.memory_space<semaphore_mem>>
        tpu.enqueue_dma source(%arg7 : memref<100000xf32, #tpu.memory_space<hbm>>) target(%arg22 : memref<100000xf32, #tpu.memory_space<vmem_shared>>) target_semaphore(%run_scoped3A : memref<!tpu.dma_semaphore, #tpu.memory_space<semaphore_mem>>)
        tpu.wait_dma2 semaphore(%run_scoped3A : memref<!tpu.dma_semaphore, #tpu.memory_space<semaphore_mem>>) src(%arg7 : memref<100000xf32, #tpu.memory_space<hbm>>) dst(%arg22 : memref<100000xf32, #tpu.memory_space<vmem_shared>>)
        tpu.yield
      }) : () -> ()
    } else {
    }
    %barrier3A = arith.constant 0 : index
    tpu.barrier barrier_id(%barrier3A)
    %mul3A_7 = arith.constant 200000 : i32
    %mul3A_8 = arith.muli %add3A, %mul3A_7 : i32
    %add3A_9 = arith.constant 0 : i32
    %add3A_10 = arith.addi %mul3A_8, %add3A_9 : i32
    %dma_start3A = tpu.memref_slice %arg3[%add3A_10] : memref<6400000xi32, #tpu.memory_space<hbm>> -> memref<2000xi32, #tpu.memory_space<hbm>>
    %dma_start3A_11 = tpu.memref_slice %arg3[%add3A_10] : memref<6400000xi32, #tpu.memory_space<hbm>> -> memref<2000xi32, #tpu.memory_space<hbm>>
    tpu.enqueue_dma source(%dma_start3A_11 : memref<2000xi32, #tpu.memory_space<hbm>>) target(%arg10 : memref<2000xi32, #tpu.memory_space<vmem>>) target_semaphore(%arg27 : memref<!tpu.dma_semaphore, #tpu.memory_space<semaphore_mem>>)
    %dma_start3A_12 = tpu.memref_slice %arg4[%add3A_10] : memref<6400000xi32, #tpu.memory_space<hbm>> -> memref<2000xi32, #tpu.memory_space<hbm>>
    %dma_start3A_13 = tpu.memref_slice %arg4[%add3A_10] : memref<6400000xi32, #tpu.memory_space<hbm>> -> memref<2000xi32, #tpu.memory_space<hbm>>
    tpu.enqueue_dma source(%dma_start3A_13 : memref<2000xi32, #tpu.memory_space<hbm>>) target(%arg11 : memref<2000xi32, #tpu.memory_space<vmem>>) target_semaphore(%arg27 : memref<!tpu.dma_semaphore, #tpu.memory_space<semaphore_mem>>)
    %dma_start3A_14 = tpu.memref_slice %arg5[%add3A_10] : memref<6400000xf32, #tpu.memory_space<hbm>> -> memref<2000xf32, #tpu.memory_space<hbm>>
    %dma_start3A_15 = tpu.memref_slice %arg5[%add3A_10] : memref<6400000xf32, #tpu.memory_space<hbm>> -> memref<2000xf32, #tpu.memory_space<hbm>>
    tpu.enqueue_dma source(%dma_start3A_15 : memref<2000xf32, #tpu.memory_space<hbm>>) target(%arg12 : memref<2000xf32, #tpu.memory_space<vmem>>) target_semaphore(%arg27 : memref<!tpu.dma_semaphore, #tpu.memory_space<semaphore_mem>>)
    %mul3A_16 = arith.constant 200000 : i32
    %mul3A_17 = arith.muli %add3A, %mul3A_16 : i32
    %add3A_18 = arith.constant 2000 : i32
    %add3A_19 = arith.addi %mul3A_17, %add3A_18 : i32
    %dma_start3A_20 = tpu.memref_slice %arg3[%add3A_19] : memref<6400000xi32, #tpu.memory_space<hbm>> -> memref<2000xi32, #tpu.memory_space<hbm>>
    %dma_start3A_21 = tpu.memref_slice %arg3[%add3A_19] : memref<6400000xi32, #tpu.memory_space<hbm>> -> memref<2000xi32, #tpu.memory_space<hbm>>
    tpu.enqueue_dma source(%dma_start3A_21 : memref<2000xi32, #tpu.memory_space<hbm>>) target(%arg13 : memref<2000xi32, #tpu.memory_space<vmem>>) target_semaphore(%arg28 : memref<!tpu.dma_semaphore, #tpu.memory_space<semaphore_mem>>)
    %dma_start3A_22 = tpu.memref_slice %arg4[%add3A_19] : memref<6400000xi32, #tpu.memory_space<hbm>> -> memref<2000xi32, #tpu.memory_space<hbm>>
    %dma_start3A_23 = tpu.memref_slice %arg4[%add3A_19] : memref<6400000xi32, #tpu.memory_space<hbm>> -> memref<2000xi32, #tpu.memory_space<hbm>>
    tpu.enqueue_dma source(%dma_start3A_23 : memref<2000xi32, #tpu.memory_space<hbm>>) target(%arg14 : memref<2000xi32, #tpu.memory_space<vmem>>) target_semaphore(%arg28 : memref<!tpu.dma_semaphore, #tpu.memory_space<semaphore_mem>>)
    %dma_start3A_24 = tpu.memref_slice %arg5[%add3A_19] : memref<6400000xf32, #tpu.memory_space<hbm>> -> memref<2000xf32, #tpu.memory_space<hbm>>
    %dma_start3A_25 = tpu.memref_slice %arg5[%add3A_19] : memref<6400000xf32, #tpu.memory_space<hbm>> -> memref<2000xf32, #tpu.memory_space<hbm>>
    tpu.enqueue_dma source(%dma_start3A_25 : memref<2000xf32, #tpu.memory_space<hbm>>) target(%arg15 : memref<2000xf32, #tpu.memory_space<vmem>>) target_semaphore(%arg28 : memref<!tpu.dma_semaphore, #tpu.memory_space<semaphore_mem>>)
    %mul3A_26 = arith.constant 200000 : i32
    %mul3A_27 = arith.muli %add3A, %mul3A_26 : i32
    %add3A_28 = arith.constant 0 : i32
    %add3A_29 = arith.addi %mul3A_27, %add3A_28 : i32
    %dma_wait3A = tpu.memref_slice %arg3[%add3A_29] : memref<6400000xi32, #tpu.memory_space<hbm>> -> memref<2000xi32, #tpu.memory_space<hbm>>
    %dma_wait3A_30 = tpu.memref_slice %arg3[%add3A_29] : memref<6400000xi32, #tpu.memory_space<hbm>> -> memref<2000xi32, #tpu.memory_space<hbm>>
    tpu.wait_dma2 semaphore(%arg27 : memref<!tpu.dma_semaphore, #tpu.memory_space<semaphore_mem>>) src(%dma_wait3A_30 : memref<2000xi32, #tpu.memory_space<hbm>>) dst(%arg10 : memref<2000xi32, #tpu.memory_space<vmem>>)
    %dma_wait3A_31 = tpu.memref_slice %arg4[%add3A_29] : memref<6400000xi32, #tpu.memory_space<hbm>> -> memref<2000xi32, #tpu.memory_space<hbm>>
    %dma_wait3A_32 = tpu.memref_slice %arg4[%add3A_29] : memref<6400000xi32, #tpu.memory_space<hbm>> -> memref<2000xi32, #tpu.memory_space<hbm>>
    tpu.wait_dma2 semaphore(%arg27 : memref<!tpu.dma_semaphore, #tpu.memory_space<semaphore_mem>>) src(%dma_wait3A_32 : memref<2000xi32, #tpu.memory_space<hbm>>) dst(%arg11 : memref<2000xi32, #tpu.memory_space<vmem>>)
    %dma_wait3A_33 = tpu.memref_slice %arg5[%add3A_29] : memref<6400000xf32, #tpu.memory_space<hbm>> -> memref<2000xf32, #tpu.memory_space<hbm>>
    %dma_wait3A_34 = tpu.memref_slice %arg5[%add3A_29] : memref<6400000xf32, #tpu.memory_space<hbm>> -> memref<2000xf32, #tpu.memory_space<hbm>>
    tpu.wait_dma2 semaphore(%arg27 : memref<!tpu.dma_semaphore, #tpu.memory_space<semaphore_mem>>) src(%dma_wait3A_34 : memref<2000xf32, #tpu.memory_space<hbm>>) dst(%arg12 : memref<2000xf32, #tpu.memory_space<vmem>>)
    %dma_start3A_35 = arith.constant 0 : i32
    %dma_start3A_36 = arith.constant 0 : i32
    %dma_start3A_37 = tpu.memref_slice %arg2[%dma_start3A_35, %dma_start3A_36] : memref<100000x8xf32, #tpu.memory_space<hbm>> -> memref<100000x8xf32, #tpu.memory_space<hbm>>
    tpu.enqueue_indirect_dma source(%dma_start3A_37 : memref<100000x8xf32, #tpu.memory_space<hbm>>) target(%arg19 : memref<2000x8xf32, #tpu.memory_space<vmem>>) offsets(%arg10 : memref<2000xi32, #tpu.memory_space<vmem>>) semaphore(%arg23 : memref<!tpu.dma_semaphore, #tpu.memory_space<semaphore_mem>>)
    %dma_wait3A_38 = arith.constant 0 : i32
    %dma_wait3A_39 = arith.constant 0 : i32
    %dma_wait3A_40 = tpu.memref_slice %arg2[%dma_wait3A_38, %dma_wait3A_39] : memref<100000x8xf32, #tpu.memory_space<hbm>> -> memref<100000x8xf32, #tpu.memory_space<hbm>>
    tpu.wait_indirect_dma semaphore(%arg23 : memref<!tpu.dma_semaphore, #tpu.memory_space<semaphore_mem>>) src(%dma_wait3A_40 : memref<100000x8xf32, #tpu.memory_space<hbm>>) dst(%arg19 : memref<2000x8xf32, #tpu.memory_space<vmem>>)
    %dma_start3A_41 = arith.constant 0 : i32
    %dma_start3A_42 = arith.constant 0 : i32
    %dma_start3A_43 = tpu.memref_slice %arg21[%dma_start3A_41, %dma_start3A_42] : memref<100000x8xf32, #tpu.memory_space<vmem_shared>> -> memref<100000x8xf32, #tpu.memory_space<vmem_shared>>
    tpu.enqueue_indirect_dma source(%arg19 : memref<2000x8xf32, #tpu.memory_space<vmem>>) target(%dma_start3A_43 : memref<100000x8xf32, #tpu.memory_space<vmem_shared>>) offsets(%arg11 : memref<2000xi32, #tpu.memory_space<vmem>>) semaphore(%arg25 : memref<!tpu.dma_semaphore, #tpu.memory_space<semaphore_mem>>) {add = true}
    %dma_start3A_44 = arith.constant 0 : i32
    %dma_start3A_45 = tpu.memref_slice %arg22[%dma_start3A_44] : memref<100000xf32, #tpu.memory_space<vmem_shared>> -> memref<100000xf32, #tpu.memory_space<vmem_shared>>
    tpu.enqueue_indirect_dma source(%arg12 : memref<2000xf32, #tpu.memory_space<vmem>>) target(%dma_start3A_45 : memref<100000xf32, #tpu.memory_space<vmem_shared>>) offsets(%arg11 : memref<2000xi32, #tpu.memory_space<vmem>>) semaphore(%arg25 : memref<!tpu.dma_semaphore, #tpu.memory_space<semaphore_mem>>) {add = true}
    %mul3A_46 = arith.constant 200000 : i32
    %mul3A_47 = arith.muli %add3A, %mul3A_46 : i32
    %add3A_48 = arith.constant 4000 : i32
    %add3A_49 = arith.addi %mul3A_47, %add3A_48 : i32
    %dma_start3A_50 = tpu.memref_slice %arg3[%add3A_49] : memref<6400000xi32, #tpu.memory_space<hbm>> -> memref<2000xi32, #tpu.memory_space<hbm>>
    %dma_start3A_51 = tpu.memref_slice %arg3[%add3A_49] : memref<6400000xi32, #tpu.memory_space<hbm>> -> memref<2000xi32, #tpu.memory_space<hbm>>
    tpu.enqueue_dma source(%dma_start3A_51 : memref<2000xi32, #tpu.memory_space<hbm>>) target(%arg16 : memref<2000xi32, #tpu.memory_space<vmem>>) target_semaphore(%arg29 : memref<!tpu.dma_semaphore, #tpu.memory_space<semaphore_mem>>)
    %dma_start3A_52 = tpu.memref_slice %arg4[%add3A_49] : memref<6400000xi32, #tpu.memory_space<hbm>> -> memref<2000xi32, #tpu.memory_space<hbm>>
    %dma_start3A_53 = tpu.memref_slice %arg4[%add3A_49] : memref<6400000xi32, #tpu.memory_space<hbm>> -> memref<2000xi32, #tpu.memory_space<hbm>>
    tpu.enqueue_dma source(%dma_start3A_53 : memref<2000xi32, #tpu.memory_space<hbm>>) target(%arg17 : memref<2000xi32, #tpu.memory_space<vmem>>) target_semaphore(%arg29 : memref<!tpu.dma_semaphore, #tpu.memory_space<semaphore_mem>>)
    %dma_start3A_54 = tpu.memref_slice %arg5[%add3A_49] : memref<6400000xf32, #tpu.memory_space<hbm>> -> memref<2000xf32, #tpu.memory_space<hbm>>
    %dma_start3A_55 = tpu.memref_slice %arg5[%add3A_49] : memref<6400000xf32, #tpu.memory_space<hbm>> -> memref<2000xf32, #tpu.memory_space<hbm>>
    tpu.enqueue_dma source(%dma_start3A_55 : memref<2000xf32, #tpu.memory_space<hbm>>) target(%arg18 : memref<2000xf32, #tpu.memory_space<vmem>>) target_semaphore(%arg29 : memref<!tpu.dma_semaphore, #tpu.memory_space<semaphore_mem>>)
    %mul3A_56 = arith.constant 200000 : i32
    %mul3A_57 = arith.muli %add3A, %mul3A_56 : i32
    %add3A_58 = arith.constant 2000 : i32
    %add3A_59 = arith.addi %mul3A_57, %add3A_58 : i32
    %dma_wait3A_60 = tpu.memref_slice %arg3[%add3A_59] : memref<6400000xi32, #tpu.memory_space<hbm>> -> memref<2000xi32, #tpu.memory_space<hbm>>
    %dma_wait3A_61 = tpu.memref_slice %arg3[%add3A_59] : memref<6400000xi32, #tpu.memory_space<hbm>> -> memref<2000xi32, #tpu.memory_space<hbm>>
    tpu.wait_dma2 semaphore(%arg28 : memref<!tpu.dma_semaphore, #tpu.memory_space<semaphore_mem>>) src(%dma_wait3A_61 : memref<2000xi32, #tpu.memory_space<hbm>>) dst(%arg13 : memref<2000xi32, #tpu.memory_space<vmem>>)
    %dma_wait3A_62 = tpu.memref_slice %arg4[%add3A_59] : memref<6400000xi32, #tpu.memory_space<hbm>> -> memref<2000xi32, #tpu.memory_space<hbm>>
    %dma_wait3A_63 = tpu.memref_slice %arg4[%add3A_59] : memref<6400000xi32, #tpu.memory_space<hbm>> -> memref<2000xi32, #tpu.memory_space<hbm>>
    tpu.wait_dma2 semaphore(%arg28 : memref<!tpu.dma_semaphore, #tpu.memory_space<semaphore_mem>>) src(%dma_wait3A_63 : memref<2000xi32, #tpu.memory_space<hbm>>) dst(%arg14 : memref<2000xi32, #tpu.memory_space<vmem>>)
    %dma_wait3A_64 = tpu.memref_slice %arg5[%add3A_59] : memref<6400000xf32, #tpu.memory_space<hbm>> -> memref<2000xf32, #tpu.memory_space<hbm>>
    %dma_wait3A_65 = tpu.memref_slice %arg5[%add3A_59] : memref<6400000xf32, #tpu.memory_space<hbm>> -> memref<2000xf32, #tpu.memory_space<hbm>>
    tpu.wait_dma2 semaphore(%arg28 : memref<!tpu.dma_semaphore, #tpu.memory_space<semaphore_mem>>) src(%dma_wait3A_65 : memref<2000xf32, #tpu.memory_space<hbm>>) dst(%arg15 : memref<2000xf32, #tpu.memory_space<vmem>>)
    %dma_start3A_66 = arith.constant 0 : i32
    %dma_start3A_67 = arith.constant 0 : i32
    %dma_start3A_68 = tpu.memref_slice %arg2[%dma_start3A_66, %dma_start3A_67] : memref<100000x8xf32, #tpu.memory_space<hbm>> -> memref<100000x8xf32, #tpu.memory_space<hbm>>
    tpu.enqueue_indirect_dma source(%dma_start3A_68 : memref<100000x8xf32, #tpu.memory_space<hbm>>) target(%arg20 : memref<2000x8xf32, #tpu.memory_space<vmem>>) offsets(%arg13 : memref<2000xi32, #tpu.memory_space<vmem>>) semaphore(%arg24 : memref<!tpu.dma_semaphore, #tpu.memory_space<semaphore_mem>>)
    %dma_wait3A_69 = arith.constant 0 : i32
    %dma_wait3A_70 = arith.constant 0 : i32
    %dma_wait3A_71 = tpu.memref_slice %arg2[%dma_wait3A_69, %dma_wait3A_70] : memref<100000x8xf32, #tpu.memory_space<hbm>> -> memref<100000x8xf32, #tpu.memory_space<hbm>>
    tpu.wait_indirect_dma semaphore(%arg24 : memref<!tpu.dma_semaphore, #tpu.memory_space<semaphore_mem>>) src(%dma_wait3A_71 : memref<100000x8xf32, #tpu.memory_space<hbm>>) dst(%arg20 : memref<2000x8xf32, #tpu.memory_space<vmem>>)
    %dma_start3A_72 = arith.constant 0 : i32
    %dma_start3A_73 = arith.constant 0 : i32
    %dma_start3A_74 = tpu.memref_slice %arg21[%dma_start3A_72, %dma_start3A_73] : memref<100000x8xf32, #tpu.memory_space<vmem_shared>> -> memref<100000x8xf32, #tpu.memory_space<vmem_shared>>
    tpu.enqueue_indirect_dma source(%arg20 : memref<2000x8xf32, #tpu.memory_space<vmem>>) target(%dma_start3A_74 : memref<100000x8xf32, #tpu.memory_space<vmem_shared>>) offsets(%arg14 : memref<2000xi32, #tpu.memory_space<vmem>>) semaphore(%arg26 : memref<!tpu.dma_semaphore, #tpu.memory_space<semaphore_mem>>) {add = true}
    %dma_start3A_75 = arith.constant 0 : i32
    %dma_start3A_76 = tpu.memref_slice %arg22[%dma_start3A_75] : memref<100000xf32, #tpu.memory_space<vmem_shared>> -> memref<100000xf32, #tpu.memory_space<vmem_shared>>
    tpu.enqueue_indirect_dma source(%arg15 : memref<2000xf32, #tpu.memory_space<vmem>>) target(%dma_start3A_76 : memref<100000xf32, #tpu.memory_space<vmem_shared>>) offsets(%arg14 : memref<2000xi32, #tpu.memory_space<vmem>>) semaphore(%arg26 : memref<!tpu.dma_semaphore, #tpu.memory_space<semaphore_mem>>) {add = true}
    %dma_wait3A_77 = arith.constant 0 : i32
    %dma_wait3A_78 = arith.constant 0 : i32
    %dma_wait3A_79 = tpu.memref_slice %arg21[%dma_wait3A_77, %dma_wait3A_78] : memref<100000x8xf32, #tpu.memory_space<vmem_shared>> -> memref<100000x8xf32, #tpu.memory_space<vmem_shared>>
    tpu.wait_indirect_dma semaphore(%arg25 : memref<!tpu.dma_semaphore, #tpu.memory_space<semaphore_mem>>) src(%arg19 : memref<2000x8xf32, #tpu.memory_space<vmem>>) dst(%dma_wait3A_79 : memref<100000x8xf32, #tpu.memory_space<vmem_shared>>)
    %dma_wait3A_80 = arith.constant 0 : i32
    %dma_wait3A_81 = tpu.memref_slice %arg22[%dma_wait3A_80] : memref<100000xf32, #tpu.memory_space<vmem_shared>> -> memref<100000xf32, #tpu.memory_space<vmem_shared>>
    tpu.wait_indirect_dma semaphore(%arg25 : memref<!tpu.dma_semaphore, #tpu.memory_space<semaphore_mem>>) src(%arg12 : memref<2000xf32, #tpu.memory_space<vmem>>) dst(%dma_wait3A_81 : memref<100000xf32, #tpu.memory_space<vmem_shared>>)
    %mul3A_82 = arith.constant 200000 : i32
    %mul3A_83 = arith.muli %add3A, %mul3A_82 : i32
    %add3A_84 = arith.constant 6000 : i32
    %add3A_85 = arith.addi %mul3A_83, %add3A_84 : i32
    %dma_start3A_86 = tpu.memref_slice %arg3[%add3A_85] : memref<6400000xi32, #tpu.memory_space<hbm>> -> memref<2000xi32, #tpu.memory_space<hbm>>
    %dma_start3A_87 = tpu.memref_slice %arg3[%add3A_85] : memref<6400000xi32, #tpu.memory_space<hbm>> -> memref<2000xi32, #tpu.memory_space<hbm>>
    tpu.enqueue_dma source(%dma_start3A_87 : memref<2000xi32, #tpu.memory_space<hbm>>) target(%arg10 : memref<2000xi32, #tpu.memory_space<vmem>>) target_semaphore(%arg27 : memref<!tpu.dma_semaphore, #tpu.memory_space<semaphore_mem>>)
    %dma_start3A_88 = tpu.memref_slice %arg4[%add3A_85] : memref<6400000xi32, #tpu.memory_space<hbm>> -> memref<2000xi32, #tpu.memory_space<hbm>>
    %dma_start3A_89 = tpu.memref_slice %arg4[%add3A_85] : memref<6400000xi32, #tpu.memory_space<hbm>> -> memref<2000xi32, #tpu.memory_space<hbm>>
    tpu.enqueue_dma source(%dma_start3A_89 : memref<2000xi32, #tpu.memory_space<hbm>>) target(%arg11 : memref<2000xi32, #tpu.memory_space<vmem>>) target_semaphore(%arg27 : memref<!tpu.dma_semaphore, #tpu.memory_space<semaphore_mem>>)
    %dma_start3A_90 = tpu.memref_slice %arg5[%add3A_85] : memref<6400000xf32, #tpu.memory_space<hbm>> -> memref<2000xf32, #tpu.memory_space<hbm>>
    %dma_start3A_91 = tpu.memref_slice %arg5[%add3A_85] : memref<6400000xf32, #tpu.memory_space<hbm>> -> memref<2000xf32, #tpu.memory_space<hbm>>
    tpu.enqueue_dma source(%dma_start3A_91 : memref<2000xf32, #tpu.memory_space<hbm>>) target(%arg12 : memref<2000xf32, #tpu.memory_space<vmem>>) target_semaphore(%arg27 : memref<!tpu.dma_semaphore, #tpu.memory_space<semaphore_mem>>)
    %mul3A_92 = arith.constant 200000 : i32
    %mul3A_93 = arith.muli %add3A, %mul3A_92 : i32
    %add3A_94 = arith.constant 4000 : i32
    %add3A_95 = arith.addi %mul3A_93, %add3A_94 : i32
    %dma_wait3A_96 = tpu.memref_slice %arg3[%add3A_95] : memref<6400000xi32, #tpu.memory_space<hbm>> -> memref<2000xi32, #tpu.memory_space<hbm>>
    %dma_wait3A_97 = tpu.memref_slice %arg3[%add3A_95] : memref<6400000xi32, #tpu.memory_space<hbm>> -> memref<2000xi32, #tpu.memory_space<hbm>>
    tpu.wait_dma2 semaphore(%arg29 : memref<!tpu.dma_semaphore, #tpu.memory_space<semaphore_mem>>) src(%dma_wait3A_97 : memref<2000xi32, #tpu.memory_space<hbm>>) dst(%arg16 : memref<2000xi32, #tpu.memory_space<vmem>>)
    %dma_wait3A_98 = tpu.memref_slice %arg4[%add3A_95] : memref<6400000xi32, #tpu.memory_space<hbm>> -> memref<2000xi32, #tpu.memory_space<hbm>>
    %dma_wait3A_99 = tpu.memref_slice %arg4[%add3A_95] : memref<6400000xi32, #tpu.memory_space<hbm>> -> memref<2000xi32, #tpu.memory_space<hbm>>
    tpu.wait_dma2 semaphore(%arg29 : memref<!tpu.dma_semaphore, #tpu.memory_space<semaphore_mem>>) src(%dma_wait3A_99 : memref<2000xi32, #tpu.memory_space<hbm>>) dst(%arg17 : memref<2000xi32, #tpu.memory_space<vmem>>)
    %dma_wait3A_100 = tpu.memref_slice %arg5[%add3A_95] : memref<6400000xf32, #tpu.memory_space<hbm>> -> memref<2000xf32, #tpu.memory_space<hbm>>
    %dma_wait3A_101 = tpu.memref_slice %arg5[%add3A_95] : memref<6400000xf32, #tpu.memory_space<hbm>> -> memref<2000xf32, #tpu.memory_space<hbm>>
    tpu.wait_dma2 semaphore(%arg29 : memref<!tpu.dma_semaphore, #tpu.memory_space<semaphore_mem>>) src(%dma_wait3A_101 : memref<2000xf32, #tpu.memory_space<hbm>>) dst(%arg18 : memref<2000xf32, #tpu.memory_space<vmem>>)
    %dma_start3A_102 = arith.constant 0 : i32
    %dma_start3A_103 = arith.constant 0 : i32
    %dma_start3A_104 = tpu.memref_slice %arg2[%dma_start3A_102, %dma_start3A_103] : memref<100000x8xf32, #tpu.memory_space<hbm>> -> memref<100000x8xf32, #tpu.memory_space<hbm>>
    tpu.enqueue_indirect_dma source(%dma_start3A_104 : memref<100000x8xf32, #tpu.memory_space<hbm>>) target(%arg19 : memref<2000x8xf32, #tpu.memory_space<vmem>>) offsets(%arg16 : memref<2000xi32, #tpu.memory_space<vmem>>) semaphore(%arg23 : memref<!tpu.dma_semaphore, #tpu.memory_space<semaphore_mem>>)
    %scan3A = arith.constant 2 : i32
    %scan3A_105 = arith.constant 0 : i32
    %scan3A_106 = arith.constant 16 : i32
    %scan3A_107 = arith.addi %scan3A_105, %scan3A_106 : i32
    %scan3A_108 = arith.constant 1 : i32
    %scan3A_109 = scf.for %scan3A_172 = %scan3A_105 to %scan3A_107 step %scan3A_108 iter_args(%scan3A_173 = %scan3A) -> (i32)  : i32 {
      %add3A_174 = arith.constant 0 : i32
      %add3A_175 = arith.addi %scan3A_173, %add3A_174 : i32
      %dma_wait3A_176 = arith.constant 0 : i32
      %dma_wait3A_177 = arith.constant 0 : i32
      %dma_wait3A_178 = tpu.memref_slice %arg2[%dma_wait3A_176, %dma_wait3A_177] : memref<100000x8xf32, #tpu.memory_space<hbm>> -> memref<100000x8xf32, #tpu.memory_space<hbm>>
      tpu.wait_indirect_dma semaphore(%arg23 : memref<!tpu.dma_semaphore, #tpu.memory_space<semaphore_mem>>) src(%dma_wait3A_178 : memref<100000x8xf32, #tpu.memory_space<hbm>>) dst(%arg19 : memref<2000x8xf32, #tpu.memory_space<vmem>>)
      %dma_start3A_179 = arith.constant 0 : i32
      %dma_start3A_180 = arith.constant 0 : i32
      %dma_start3A_181 = tpu.memref_slice %arg21[%dma_start3A_179, %dma_start3A_180] : memref<100000x8xf32, #tpu.memory_space<vmem_shared>> -> memref<100000x8xf32, #tpu.memory_space<vmem_shared>>
      tpu.enqueue_indirect_dma source(%arg19 : memref<2000x8xf32, #tpu.memory_space<vmem>>) target(%dma_start3A_181 : memref<100000x8xf32, #tpu.memory_space<vmem_shared>>) offsets(%arg17 : memref<2000xi32, #tpu.memory_space<vmem>>) semaphore(%arg25 : memref<!tpu.dma_semaphore, #tpu.memory_space<semaphore_mem>>) {add = true}
      %dma_start3A_182 = arith.constant 0 : i32
      %dma_start3A_183 = tpu.memref_slice %arg22[%dma_start3A_182] : memref<100000xf32, #tpu.memory_space<vmem_shared>> -> memref<100000xf32, #tpu.memory_space<vmem_shared>>
      tpu.enqueue_indirect_dma source(%arg18 : memref<2000xf32, #tpu.memory_space<vmem>>) target(%dma_start3A_183 : memref<100000xf32, #tpu.memory_space<vmem_shared>>) offsets(%arg17 : memref<2000xi32, #tpu.memory_space<vmem>>) semaphore(%arg25 : memref<!tpu.dma_semaphore, #tpu.memory_space<semaphore_mem>>) {add = true}
      %dma_wait3A_184 = arith.constant 0 : i32
      %dma_wait3A_185 = arith.constant 0 : i32
      %dma_wait3A_186 = tpu.memref_slice %arg21[%dma_wait3A_184, %dma_wait3A_185] : memref<100000x8xf32, #tpu.memory_space<vmem_shared>> -> memref<100000x8xf32, #tpu.memory_space<vmem_shared>>
      tpu.wait_indirect_dma semaphore(%arg26 : memref<!tpu.dma_semaphore, #tpu.memory_space<semaphore_mem>>) src(%arg20 : memref<2000x8xf32, #tpu.memory_space<vmem>>) dst(%dma_wait3A_186 : memref<100000x8xf32, #tpu.memory_space<vmem_shared>>)
      %dma_wait3A_187 = arith.constant 0 : i32
      %dma_wait3A_188 = tpu.memref_slice %arg22[%dma_wait3A_187] : memref<100000xf32, #tpu.memory_space<vmem_shared>> -> memref<100000xf32, #tpu.memory_space<vmem_shared>>
      tpu.wait_indirect_dma semaphore(%arg26 : memref<!tpu.dma_semaphore, #tpu.memory_space<semaphore_mem>>) src(%arg15 : memref<2000xf32, #tpu.memory_space<vmem>>) dst(%dma_wait3A_188 : memref<100000xf32, #tpu.memory_space<vmem_shared>>)
      %add3A_189 = arith.constant 2 : i32
      %add3A_190 = arith.addi %add3A_175, %add3A_189 : i32
      %mul3A_191 = arith.constant 200000 : i32
      %mul3A_192 = arith.muli %add3A, %mul3A_191 : i32
      %mul3A_193 = arith.constant 2000 : i32
      %mul3A_194 = arith.muli %add3A_190, %mul3A_193 : i32
      %add3A_195 = arith.addi %mul3A_192, %mul3A_194 : i32
      %dma_start3A_196 = tpu.memref_slice %arg3[%add3A_195] : memref<6400000xi32, #tpu.memory_space<hbm>> -> memref<2000xi32, #tpu.memory_space<hbm>>
      %dma_start3A_197 = tpu.memref_slice %arg3[%add3A_195] : memref<6400000xi32, #tpu.memory_space<hbm>> -> memref<2000xi32, #tpu.memory_space<hbm>>
      tpu.enqueue_dma source(%dma_start3A_197 : memref<2000xi32, #tpu.memory_space<hbm>>) target(%arg13 : memref<2000xi32, #tpu.memory_space<vmem>>) target_semaphore(%arg28 : memref<!tpu.dma_semaphore, #tpu.memory_space<semaphore_mem>>)
      %dma_start3A_198 = tpu.memref_slice %arg4[%add3A_195] : memref<6400000xi32, #tpu.memory_space<hbm>> -> memref<2000xi32, #tpu.memory_space<hbm>>
      %dma_start3A_199 = tpu.memref_slice %arg4[%add3A_195] : memref<6400000xi32, #tpu.memory_space<hbm>> -> memref<2000xi32, #tpu.memory_space<hbm>>
      tpu.enqueue_dma source(%dma_start3A_199 : memref<2000xi32, #tpu.memory_space<hbm>>) target(%arg14 : memref<2000xi32, #tpu.memory_space<vmem>>) target_semaphore(%arg28 : memref<!tpu.dma_semaphore, #tpu.memory_space<semaphore_mem>>)
      %dma_start3A_200 = tpu.memref_slice %arg5[%add3A_195] : memref<6400000xf32, #tpu.memory_space<hbm>> -> memref<2000xf32, #tpu.memory_space<hbm>>
      %dma_start3A_201 = tpu.memref_slice %arg5[%add3A_195] : memref<6400000xf32, #tpu.memory_space<hbm>> -> memref<2000xf32, #tpu.memory_space<hbm>>
      tpu.enqueue_dma source(%dma_start3A_201 : memref<2000xf32, #tpu.memory_space<hbm>>) target(%arg15 : memref<2000xf32, #tpu.memory_space<vmem>>) target_semaphore(%arg28 : memref<!tpu.dma_semaphore, #tpu.memory_space<semaphore_mem>>)
      %add3A_202 = arith.constant 1 : i32
      %add3A_203 = arith.addi %add3A_175, %add3A_202 : i32
      %mul3A_204 = arith.constant 200000 : i32
      %mul3A_205 = arith.muli %add3A, %mul3A_204 : i32
      %mul3A_206 = arith.constant 2000 : i32
      %mul3A_207 = arith.muli %add3A_203, %mul3A_206 : i32
      %add3A_208 = arith.addi %mul3A_205, %mul3A_207 : i32
      %dma_wait3A_209 = tpu.memref_slice %arg3[%add3A_208] : memref<6400000xi32, #tpu.memory_space<hbm>> -> memref<2000xi32, #tpu.memory_space<hbm>>
      %dma_wait3A_210 = tpu.memref_slice %arg3[%add3A_208] : memref<6400000xi32, #tpu.memory_space<hbm>> -> memref<2000xi32, #tpu.memory_space<hbm>>
      tpu.wait_dma2 semaphore(%arg27 : memref<!tpu.dma_semaphore, #tpu.memory_space<semaphore_mem>>) src(%dma_wait3A_210 : memref<2000xi32, #tpu.memory_space<hbm>>) dst(%arg10 : memref<2000xi32, #tpu.memory_space<vmem>>)
      %dma_wait3A_211 = tpu.memref_slice %arg4[%add3A_208] : memref<6400000xi32, #tpu.memory_space<hbm>> -> memref<2000xi32, #tpu.memory_space<hbm>>
      %dma_wait3A_212 = tpu.memref_slice %arg4[%add3A_208] : memref<6400000xi32, #tpu.memory_space<hbm>> -> memref<2000xi32, #tpu.memory_space<hbm>>
      tpu.wait_dma2 semaphore(%arg27 : memref<!tpu.dma_semaphore, #tpu.memory_space<semaphore_mem>>) src(%dma_wait3A_212 : memref<2000xi32, #tpu.memory_space<hbm>>) dst(%arg11 : memref<2000xi32, #tpu.memory_space<vmem>>)
      %dma_wait3A_213 = tpu.memref_slice %arg5[%add3A_208] : memref<6400000xf32, #tpu.memory_space<hbm>> -> memref<2000xf32, #tpu.memory_space<hbm>>
      %dma_wait3A_214 = tpu.memref_slice %arg5[%add3A_208] : memref<6400000xf32, #tpu.memory_space<hbm>> -> memref<2000xf32, #tpu.memory_space<hbm>>
      tpu.wait_dma2 semaphore(%arg27 : memref<!tpu.dma_semaphore, #tpu.memory_space<semaphore_mem>>) src(%dma_wait3A_214 : memref<2000xf32, #tpu.memory_space<hbm>>) dst(%arg12 : memref<2000xf32, #tpu.memory_space<vmem>>)
      %dma_start3A_215 = arith.constant 0 : i32
      %dma_start3A_216 = arith.constant 0 : i32
      %dma_start3A_217 = tpu.memref_slice %arg2[%dma_start3A_215, %dma_start3A_216] : memref<100000x8xf32, #tpu.memory_space<hbm>> -> memref<100000x8xf32, #tpu.memory_space<hbm>>
      tpu.enqueue_indirect_dma source(%dma_start3A_217 : memref<100000x8xf32, #tpu.memory_space<hbm>>) target(%arg20 : memref<2000x8xf32, #tpu.memory_space<vmem>>) offsets(%arg10 : memref<2000xi32, #tpu.memory_space<vmem>>) semaphore(%arg24 : memref<!tpu.dma_semaphore, #tpu.memory_space<semaphore_mem>>)
      %add3A_218 = arith.constant 1 : i32
      %add3A_219 = arith.addi %scan3A_173, %add3A_218 : i32
      %dma_wait3A_220 = arith.constant 0 : i32
      %dma_wait3A_221 = arith.constant 0 : i32
      %dma_wait3A_222 = tpu.memref_slice %arg2[%dma_wait3A_220, %dma_wait3A_221] : memref<100000x8xf32, #tpu.memory_space<hbm>> -> memref<100000x8xf32, #tpu.memory_space<hbm>>
      tpu.wait_indirect_dma semaphore(%arg24 : memref<!tpu.dma_semaphore, #tpu.memory_space<semaphore_mem>>) src(%dma_wait3A_222 : memref<100000x8xf32, #tpu.memory_space<hbm>>) dst(%arg20 : memref<2000x8xf32, #tpu.memory_space<vmem>>)
      %dma_start3A_223 = arith.constant 0 : i32
      %dma_start3A_224 = arith.constant 0 : i32
      %dma_start3A_225 = tpu.memref_slice %arg21[%dma_start3A_223, %dma_start3A_224] : memref<100000x8xf32, #tpu.memory_space<vmem_shared>> -> memref<100000x8xf32, #tpu.memory_space<vmem_shared>>
      tpu.enqueue_indirect_dma source(%arg20 : memref<2000x8xf32, #tpu.memory_space<vmem>>) target(%dma_start3A_225 : memref<100000x8xf32, #tpu.memory_space<vmem_shared>>) offsets(%arg11 : memref<2000xi32, #tpu.memory_space<vmem>>) semaphore(%arg26 : memref<!tpu.dma_semaphore, #tpu.memory_space<semaphore_mem>>) {add = true}
      %dma_start3A_226 = arith.constant 0 : i32
      %dma_start3A_227 = tpu.memref_slice %arg22[%dma_start3A_226] : memref<100000xf32, #tpu.memory_space<vmem_shared>> -> memref<100000xf32, #tpu.memory_space<vmem_shared>>
      tpu.enqueue_indirect_dma source(%arg12 : memref<2000xf32, #tpu.memory_space<vmem>>) target(%dma_start3A_227 : memref<100000xf32, #tpu.memory_space<vmem_shared>>) offsets(%arg11 : memref<2000xi32, #tpu.memory_space<vmem>>) semaphore(%arg26 : memref<!tpu.dma_semaphore, #tpu.memory_space<semaphore_mem>>) {add = true}
      %dma_wait3A_228 = arith.constant 0 : i32
      %dma_wait3A_229 = arith.constant 0 : i32
      %dma_wait3A_230 = tpu.memref_slice %arg21[%dma_wait3A_228, %dma_wait3A_229] : memref<100000x8xf32, #tpu.memory_space<vmem_shared>> -> memref<100000x8xf32, #tpu.memory_space<vmem_shared>>
      tpu.wait_indirect_dma semaphore(%arg25 : memref<!tpu.dma_semaphore, #tpu.memory_space<semaphore_mem>>) src(%arg19 : memref<2000x8xf32, #tpu.memory_space<vmem>>) dst(%dma_wait3A_230 : memref<100000x8xf32, #tpu.memory_space<vmem_shared>>)
      %dma_wait3A_231 = arith.constant 0 : i32
      %dma_wait3A_232 = tpu.memref_slice %arg22[%dma_wait3A_231] : memref<100000xf32, #tpu.memory_space<vmem_shared>> -> memref<100000xf32, #tpu.memory_space<vmem_shared>>
      tpu.wait_indirect_dma semaphore(%arg25 : memref<!tpu.dma_semaphore, #tpu.memory_space<semaphore_mem>>) src(%arg18 : memref<2000xf32, #tpu.memory_space<vmem>>) dst(%dma_wait3A_232 : memref<100000xf32, #tpu.memory_space<vmem_shared>>)
      %add3A_233 = arith.constant 2 : i32
      %add3A_234 = arith.addi %add3A_219, %add3A_233 : i32
      %mul3A_235 = arith.constant 200000 : i32
      %mul3A_236 = arith.muli %add3A, %mul3A_235 : i32
      %mul3A_237 = arith.constant 2000 : i32
      %mul3A_238 = arith.muli %add3A_234, %mul3A_237 : i32
      %add3A_239 = arith.addi %mul3A_236, %mul3A_238 : i32
      %dma_start3A_240 = tpu.memref_slice %arg3[%add3A_239] : memref<6400000xi32, #tpu.memory_space<hbm>> -> memref<2000xi32, #tpu.memory_space<hbm>>
      %dma_start3A_241 = tpu.memref_slice %arg3[%add3A_239] : memref<6400000xi32, #tpu.memory_space<hbm>> -> memref<2000xi32, #tpu.memory_space<hbm>>
      tpu.enqueue_dma source(%dma_start3A_241 : memref<2000xi32, #tpu.memory_space<hbm>>) target(%arg16 : memref<2000xi32, #tpu.memory_space<vmem>>) target_semaphore(%arg29 : memref<!tpu.dma_semaphore, #tpu.memory_space<semaphore_mem>>)
      %dma_start3A_242 = tpu.memref_slice %arg4[%add3A_239] : memref<6400000xi32, #tpu.memory_space<hbm>> -> memref<2000xi32, #tpu.memory_space<hbm>>
      %dma_start3A_243 = tpu.memref_slice %arg4[%add3A_239] : memref<6400000xi32, #tpu.memory_space<hbm>> -> memref<2000xi32, #tpu.memory_space<hbm>>
      tpu.enqueue_dma source(%dma_start3A_243 : memref<2000xi32, #tpu.memory_space<hbm>>) target(%arg17 : memref<2000xi32, #tpu.memory_space<vmem>>) target_semaphore(%arg29 : memref<!tpu.dma_semaphore, #tpu.memory_space<semaphore_mem>>)
      %dma_start3A_244 = tpu.memref_slice %arg5[%add3A_239] : memref<6400000xf32, #tpu.memory_space<hbm>> -> memref<2000xf32, #tpu.memory_space<hbm>>
      %dma_start3A_245 = tpu.memref_slice %arg5[%add3A_239] : memref<6400000xf32, #tpu.memory_space<hbm>> -> memref<2000xf32, #tpu.memory_space<hbm>>
      tpu.enqueue_dma source(%dma_start3A_245 : memref<2000xf32, #tpu.memory_space<hbm>>) target(%arg18 : memref<2000xf32, #tpu.memory_space<vmem>>) target_semaphore(%arg29 : memref<!tpu.dma_semaphore, #tpu.memory_space<semaphore_mem>>)
      %add3A_246 = arith.constant 1 : i32
      %add3A_247 = arith.addi %add3A_219, %add3A_246 : i32
      %mul3A_248 = arith.constant 200000 : i32
      %mul3A_249 = arith.muli %add3A, %mul3A_248 : i32
      %mul3A_250 = arith.constant 2000 : i32
      %mul3A_251 = arith.muli %add3A_247, %mul3A_250 : i32
      %add3A_252 = arith.addi %mul3A_249, %mul3A_251 : i32
      %dma_wait3A_253 = tpu.memref_slice %arg3[%add3A_252] : memref<6400000xi32, #tpu.memory_space<hbm>> -> memref<2000xi32, #tpu.memory_space<hbm>>
      %dma_wait3A_254 = tpu.memref_slice %arg3[%add3A_252] : memref<6400000xi32, #tpu.memory_space<hbm>> -> memref<2000xi32, #tpu.memory_space<hbm>>
      tpu.wait_dma2 semaphore(%arg28 : memref<!tpu.dma_semaphore, #tpu.memory_space<semaphore_mem>>) src(%dma_wait3A_254 : memref<2000xi32, #tpu.memory_space<hbm>>) dst(%arg13 : memref<2000xi32, #tpu.memory_space<vmem>>)
      %dma_wait3A_255 = tpu.memref_slice %arg4[%add3A_252] : memref<6400000xi32, #tpu.memory_space<hbm>> -> memref<2000xi32, #tpu.memory_space<hbm>>
      %dma_wait3A_256 = tpu.memref_slice %arg4[%add3A_252] : memref<6400000xi32, #tpu.memory_space<hbm>> -> memref<2000xi32, #tpu.memory_space<hbm>>
      tpu.wait_dma2 semaphore(%arg28 : memref<!tpu.dma_semaphore, #tpu.memory_space<semaphore_mem>>) src(%dma_wait3A_256 : memref<2000xi32, #tpu.memory_space<hbm>>) dst(%arg14 : memref<2000xi32, #tpu.memory_space<vmem>>)
      %dma_wait3A_257 = tpu.memref_slice %arg5[%add3A_252] : memref<6400000xf32, #tpu.memory_space<hbm>> -> memref<2000xf32, #tpu.memory_space<hbm>>
      %dma_wait3A_258 = tpu.memref_slice %arg5[%add3A_252] : memref<6400000xf32, #tpu.memory_space<hbm>> -> memref<2000xf32, #tpu.memory_space<hbm>>
      tpu.wait_dma2 semaphore(%arg28 : memref<!tpu.dma_semaphore, #tpu.memory_space<semaphore_mem>>) src(%dma_wait3A_258 : memref<2000xf32, #tpu.memory_space<hbm>>) dst(%arg15 : memref<2000xf32, #tpu.memory_space<vmem>>)
      %dma_start3A_259 = arith.constant 0 : i32
      %dma_start3A_260 = arith.constant 0 : i32
      %dma_start3A_261 = tpu.memref_slice %arg2[%dma_start3A_259, %dma_start3A_260] : memref<100000x8xf32, #tpu.memory_space<hbm>> -> memref<100000x8xf32, #tpu.memory_space<hbm>>
      tpu.enqueue_indirect_dma source(%dma_start3A_261 : memref<100000x8xf32, #tpu.memory_space<hbm>>) target(%arg19 : memref<2000x8xf32, #tpu.memory_space<vmem>>) offsets(%arg13 : memref<2000xi32, #tpu.memory_space<vmem>>) semaphore(%arg23 : memref<!tpu.dma_semaphore, #tpu.memory_space<semaphore_mem>>)
      %add3A_262 = arith.constant 2 : i32
      %add3A_263 = arith.addi %scan3A_173, %add3A_262 : i32
      %dma_wait3A_264 = arith.constant 0 : i32
      %dma_wait3A_265 = arith.constant 0 : i32
      %dma_wait3A_266 = tpu.memref_slice %arg2[%dma_wait3A_264, %dma_wait3A_265] : memref<100000x8xf32, #tpu.memory_space<hbm>> -> memref<100000x8xf32, #tpu.memory_space<hbm>>
      tpu.wait_indirect_dma semaphore(%arg23 : memref<!tpu.dma_semaphore, #tpu.memory_space<semaphore_mem>>) src(%dma_wait3A_266 : memref<100000x8xf32, #tpu.memory_space<hbm>>) dst(%arg19 : memref<2000x8xf32, #tpu.memory_space<vmem>>)
      %dma_start3A_267 = arith.constant 0 : i32
      %dma_start3A_268 = arith.constant 0 : i32
      %dma_start3A_269 = tpu.memref_slice %arg21[%dma_start3A_267, %dma_start3A_268] : memref<100000x8xf32, #tpu.memory_space<vmem_shared>> -> memref<100000x8xf32, #tpu.memory_space<vmem_shared>>
      tpu.enqueue_indirect_dma source(%arg19 : memref<2000x8xf32, #tpu.memory_space<vmem>>) target(%dma_start3A_269 : memref<100000x8xf32, #tpu.memory_space<vmem_shared>>) offsets(%arg14 : memref<2000xi32, #tpu.memory_space<vmem>>) semaphore(%arg25 : memref<!tpu.dma_semaphore, #tpu.memory_space<semaphore_mem>>) {add = true}
      %dma_start3A_270 = arith.constant 0 : i32
      %dma_start3A_271 = tpu.memref_slice %arg22[%dma_start3A_270] : memref<100000xf32, #tpu.memory_space<vmem_shared>> -> memref<100000xf32, #tpu.memory_space<vmem_shared>>
      tpu.enqueue_indirect_dma source(%arg15 : memref<2000xf32, #tpu.memory_space<vmem>>) target(%dma_start3A_271 : memref<100000xf32, #tpu.memory_space<vmem_shared>>) offsets(%arg14 : memref<2000xi32, #tpu.memory_space<vmem>>) semaphore(%arg25 : memref<!tpu.dma_semaphore, #tpu.memory_space<semaphore_mem>>) {add = true}
      %dma_wait3A_272 = arith.constant 0 : i32
      %dma_wait3A_273 = arith.constant 0 : i32
      %dma_wait3A_274 = tpu.memref_slice %arg21[%dma_wait3A_272, %dma_wait3A_273] : memref<100000x8xf32, #tpu.memory_space<vmem_shared>> -> memref<100000x8xf32, #tpu.memory_space<vmem_shared>>
      tpu.wait_indirect_dma semaphore(%arg26 : memref<!tpu.dma_semaphore, #tpu.memory_space<semaphore_mem>>) src(%arg20 : memref<2000x8xf32, #tpu.memory_space<vmem>>) dst(%dma_wait3A_274 : memref<100000x8xf32, #tpu.memory_space<vmem_shared>>)
      %dma_wait3A_275 = arith.constant 0 : i32
      %dma_wait3A_276 = tpu.memref_slice %arg22[%dma_wait3A_275] : memref<100000xf32, #tpu.memory_space<vmem_shared>> -> memref<100000xf32, #tpu.memory_space<vmem_shared>>
      tpu.wait_indirect_dma semaphore(%arg26 : memref<!tpu.dma_semaphore, #tpu.memory_space<semaphore_mem>>) src(%arg12 : memref<2000xf32, #tpu.memory_space<vmem>>) dst(%dma_wait3A_276 : memref<100000xf32, #tpu.memory_space<vmem_shared>>)
      %add3A_277 = arith.constant 2 : i32
      %add3A_278 = arith.addi %add3A_263, %add3A_277 : i32
      %mul3A_279 = arith.constant 200000 : i32
      %mul3A_280 = arith.muli %add3A, %mul3A_279 : i32
      %mul3A_281 = arith.constant 2000 : i32
      %mul3A_282 = arith.muli %add3A_278, %mul3A_281 : i32
      %add3A_283 = arith.addi %mul3A_280, %mul3A_282 : i32
      %dma_start3A_284 = tpu.memref_slice %arg3[%add3A_283] : memref<6400000xi32, #tpu.memory_space<hbm>> -> memref<2000xi32, #tpu.memory_space<hbm>>
      %dma_start3A_285 = tpu.memref_slice %arg3[%add3A_283] : memref<6400000xi32, #tpu.memory_space<hbm>> -> memref<2000xi32, #tpu.memory_space<hbm>>
      tpu.enqueue_dma source(%dma_start3A_285 : memref<2000xi32, #tpu.memory_space<hbm>>) target(%arg10 : memref<2000xi32, #tpu.memory_space<vmem>>) target_semaphore(%arg27 : memref<!tpu.dma_semaphore, #tpu.memory_space<semaphore_mem>>)
      %dma_start3A_286 = tpu.memref_slice %arg4[%add3A_283] : memref<6400000xi32, #tpu.memory_space<hbm>> -> memref<2000xi32, #tpu.memory_space<hbm>>
      %dma_start3A_287 = tpu.memref_slice %arg4[%add3A_283] : memref<6400000xi32, #tpu.memory_space<hbm>> -> memref<2000xi32, #tpu.memory_space<hbm>>
      tpu.enqueue_dma source(%dma_start3A_287 : memref<2000xi32, #tpu.memory_space<hbm>>) target(%arg11 : memref<2000xi32, #tpu.memory_space<vmem>>) target_semaphore(%arg27 : memref<!tpu.dma_semaphore, #tpu.memory_space<semaphore_mem>>)
      %dma_start3A_288 = tpu.memref_slice %arg5[%add3A_283] : memref<6400000xf32, #tpu.memory_space<hbm>> -> memref<2000xf32, #tpu.memory_space<hbm>>
      %dma_start3A_289 = tpu.memref_slice %arg5[%add3A_283] : memref<6400000xf32, #tpu.memory_space<hbm>> -> memref<2000xf32, #tpu.memory_space<hbm>>
      tpu.enqueue_dma source(%dma_start3A_289 : memref<2000xf32, #tpu.memory_space<hbm>>) target(%arg12 : memref<2000xf32, #tpu.memory_space<vmem>>) target_semaphore(%arg27 : memref<!tpu.dma_semaphore, #tpu.memory_space<semaphore_mem>>)
      %add3A_290 = arith.constant 1 : i32
      %add3A_291 = arith.addi %add3A_263, %add3A_290 : i32
      %mul3A_292 = arith.constant 200000 : i32
      %mul3A_293 = arith.muli %add3A, %mul3A_292 : i32
      %mul3A_294 = arith.constant 2000 : i32
      %mul3A_295 = arith.muli %add3A_291, %mul3A_294 : i32
      %add3A_296 = arith.addi %mul3A_293, %mul3A_295 : i32
      %dma_wait3A_297 = tpu.memref_slice %arg3[%add3A_296] : memref<6400000xi32, #tpu.memory_space<hbm>> -> memref<2000xi32, #tpu.memory_space<hbm>>
      %dma_wait3A_298 = tpu.memref_slice %arg3[%add3A_296] : memref<6400000xi32, #tpu.memory_space<hbm>> -> memref<2000xi32, #tpu.memory_space<hbm>>
      tpu.wait_dma2 semaphore(%arg29 : memref<!tpu.dma_semaphore, #tpu.memory_space<semaphore_mem>>) src(%dma_wait3A_298 : memref<2000xi32, #tpu.memory_space<hbm>>) dst(%arg16 : memref<2000xi32, #tpu.memory_space<vmem>>)
      %dma_wait3A_299 = tpu.memref_slice %arg4[%add3A_296] : memref<6400000xi32, #tpu.memory_space<hbm>> -> memref<2000xi32, #tpu.memory_space<hbm>>
      %dma_wait3A_300 = tpu.memref_slice %arg4[%add3A_296] : memref<6400000xi32, #tpu.memory_space<hbm>> -> memref<2000xi32, #tpu.memory_space<hbm>>
      tpu.wait_dma2 semaphore(%arg29 : memref<!tpu.dma_semaphore, #tpu.memory_space<semaphore_mem>>) src(%dma_wait3A_300 : memref<2000xi32, #tpu.memory_space<hbm>>) dst(%arg17 : memref<2000xi32, #tpu.memory_space<vmem>>)
      %dma_wait3A_301 = tpu.memref_slice %arg5[%add3A_296] : memref<6400000xf32, #tpu.memory_space<hbm>> -> memref<2000xf32, #tpu.memory_space<hbm>>
      %dma_wait3A_302 = tpu.memref_slice %arg5[%add3A_296] : memref<6400000xf32, #tpu.memory_space<hbm>> -> memref<2000xf32, #tpu.memory_space<hbm>>
      tpu.wait_dma2 semaphore(%arg29 : memref<!tpu.dma_semaphore, #tpu.memory_space<semaphore_mem>>) src(%dma_wait3A_302 : memref<2000xf32, #tpu.memory_space<hbm>>) dst(%arg18 : memref<2000xf32, #tpu.memory_space<vmem>>)
      %dma_start3A_303 = arith.constant 0 : i32
      %dma_start3A_304 = arith.constant 0 : i32
      %dma_start3A_305 = tpu.memref_slice %arg2[%dma_start3A_303, %dma_start3A_304] : memref<100000x8xf32, #tpu.memory_space<hbm>> -> memref<100000x8xf32, #tpu.memory_space<hbm>>
      tpu.enqueue_indirect_dma source(%dma_start3A_305 : memref<100000x8xf32, #tpu.memory_space<hbm>>) target(%arg20 : memref<2000x8xf32, #tpu.memory_space<vmem>>) offsets(%arg16 : memref<2000xi32, #tpu.memory_space<vmem>>) semaphore(%arg24 : memref<!tpu.dma_semaphore, #tpu.memory_space<semaphore_mem>>)
      %add3A_306 = arith.constant 3 : i32
      %add3A_307 = arith.addi %scan3A_173, %add3A_306 : i32
      %dma_wait3A_308 = arith.constant 0 : i32
      %dma_wait3A_309 = arith.constant 0 : i32
      %dma_wait3A_310 = tpu.memref_slice %arg2[%dma_wait3A_308, %dma_wait3A_309] : memref<100000x8xf32, #tpu.memory_space<hbm>> -> memref<100000x8xf32, #tpu.memory_space<hbm>>
      tpu.wait_indirect_dma semaphore(%arg24 : memref<!tpu.dma_semaphore, #tpu.memory_space<semaphore_mem>>) src(%dma_wait3A_310 : memref<100000x8xf32, #tpu.memory_space<hbm>>) dst(%arg20 : memref<2000x8xf32, #tpu.memory_space<vmem>>)
      %dma_start3A_311 = arith.constant 0 : i32
      %dma_start3A_312 = arith.constant 0 : i32
      %dma_start3A_313 = tpu.memref_slice %arg21[%dma_start3A_311, %dma_start3A_312] : memref<100000x8xf32, #tpu.memory_space<vmem_shared>> -> memref<100000x8xf32, #tpu.memory_space<vmem_shared>>
      tpu.enqueue_indirect_dma source(%arg20 : memref<2000x8xf32, #tpu.memory_space<vmem>>) target(%dma_start3A_313 : memref<100000x8xf32, #tpu.memory_space<vmem_shared>>) offsets(%arg17 : memref<2000xi32, #tpu.memory_space<vmem>>) semaphore(%arg26 : memref<!tpu.dma_semaphore, #tpu.memory_space<semaphore_mem>>) {add = true}
      %dma_start3A_314 = arith.constant 0 : i32
      %dma_start3A_315 = tpu.memref_slice %arg22[%dma_start3A_314] : memref<100000xf32, #tpu.memory_space<vmem_shared>> -> memref<100000xf32, #tpu.memory_space<vmem_shared>>
      tpu.enqueue_indirect_dma source(%arg18 : memref<2000xf32, #tpu.memory_space<vmem>>) target(%dma_start3A_315 : memref<100000xf32, #tpu.memory_space<vmem_shared>>) offsets(%arg17 : memref<2000xi32, #tpu.memory_space<vmem>>) semaphore(%arg26 : memref<!tpu.dma_semaphore, #tpu.memory_space<semaphore_mem>>) {add = true}
      %dma_wait3A_316 = arith.constant 0 : i32
      %dma_wait3A_317 = arith.constant 0 : i32
      %dma_wait3A_318 = tpu.memref_slice %arg21[%dma_wait3A_316, %dma_wait3A_317] : memref<100000x8xf32, #tpu.memory_space<vmem_shared>> -> memref<100000x8xf32, #tpu.memory_space<vmem_shared>>
      tpu.wait_indirect_dma semaphore(%arg25 : memref<!tpu.dma_semaphore, #tpu.memory_space<semaphore_mem>>) src(%arg19 : memref<2000x8xf32, #tpu.memory_space<vmem>>) dst(%dma_wait3A_318 : memref<100000x8xf32, #tpu.memory_space<vmem_shared>>)
      %dma_wait3A_319 = arith.constant 0 : i32
      %dma_wait3A_320 = tpu.memref_slice %arg22[%dma_wait3A_319] : memref<100000xf32, #tpu.memory_space<vmem_shared>> -> memref<100000xf32, #tpu.memory_space<vmem_shared>>
      tpu.wait_indirect_dma semaphore(%arg25 : memref<!tpu.dma_semaphore, #tpu.memory_space<semaphore_mem>>) src(%arg15 : memref<2000xf32, #tpu.memory_space<vmem>>) dst(%dma_wait3A_320 : memref<100000xf32, #tpu.memory_space<vmem_shared>>)
      %add3A_321 = arith.constant 2 : i32
      %add3A_322 = arith.addi %add3A_307, %add3A_321 : i32
      %mul3A_323 = arith.constant 200000 : i32
      %mul3A_324 = arith.muli %add3A, %mul3A_323 : i32
      %mul3A_325 = arith.constant 2000 : i32
      %mul3A_326 = arith.muli %add3A_322, %mul3A_325 : i32
      %add3A_327 = arith.addi %mul3A_324, %mul3A_326 : i32
      %dma_start3A_328 = tpu.memref_slice %arg3[%add3A_327] : memref<6400000xi32, #tpu.memory_space<hbm>> -> memref<2000xi32, #tpu.memory_space<hbm>>
      %dma_start3A_329 = tpu.memref_slice %arg3[%add3A_327] : memref<6400000xi32, #tpu.memory_space<hbm>> -> memref<2000xi32, #tpu.memory_space<hbm>>
      tpu.enqueue_dma source(%dma_start3A_329 : memref<2000xi32, #tpu.memory_space<hbm>>) target(%arg13 : memref<2000xi32, #tpu.memory_space<vmem>>) target_semaphore(%arg28 : memref<!tpu.dma_semaphore, #tpu.memory_space<semaphore_mem>>)
      %dma_start3A_330 = tpu.memref_slice %arg4[%add3A_327] : memref<6400000xi32, #tpu.memory_space<hbm>> -> memref<2000xi32, #tpu.memory_space<hbm>>
      %dma_start3A_331 = tpu.memref_slice %arg4[%add3A_327] : memref<6400000xi32, #tpu.memory_space<hbm>> -> memref<2000xi32, #tpu.memory_space<hbm>>
      tpu.enqueue_dma source(%dma_start3A_331 : memref<2000xi32, #tpu.memory_space<hbm>>) target(%arg14 : memref<2000xi32, #tpu.memory_space<vmem>>) target_semaphore(%arg28 : memref<!tpu.dma_semaphore, #tpu.memory_space<semaphore_mem>>)
      %dma_start3A_332 = tpu.memref_slice %arg5[%add3A_327] : memref<6400000xf32, #tpu.memory_space<hbm>> -> memref<2000xf32, #tpu.memory_space<hbm>>
      %dma_start3A_333 = tpu.memref_slice %arg5[%add3A_327] : memref<6400000xf32, #tpu.memory_space<hbm>> -> memref<2000xf32, #tpu.memory_space<hbm>>
      tpu.enqueue_dma source(%dma_start3A_333 : memref<2000xf32, #tpu.memory_space<hbm>>) target(%arg15 : memref<2000xf32, #tpu.memory_space<vmem>>) target_semaphore(%arg28 : memref<!tpu.dma_semaphore, #tpu.memory_space<semaphore_mem>>)
      %add3A_334 = arith.constant 1 : i32
      %add3A_335 = arith.addi %add3A_307, %add3A_334 : i32
      %mul3A_336 = arith.constant 200000 : i32
      %mul3A_337 = arith.muli %add3A, %mul3A_336 : i32
      %mul3A_338 = arith.constant 2000 : i32
      %mul3A_339 = arith.muli %add3A_335, %mul3A_338 : i32
      %add3A_340 = arith.addi %mul3A_337, %mul3A_339 : i32
      %dma_wait3A_341 = tpu.memref_slice %arg3[%add3A_340] : memref<6400000xi32, #tpu.memory_space<hbm>> -> memref<2000xi32, #tpu.memory_space<hbm>>
      %dma_wait3A_342 = tpu.memref_slice %arg3[%add3A_340] : memref<6400000xi32, #tpu.memory_space<hbm>> -> memref<2000xi32, #tpu.memory_space<hbm>>
      tpu.wait_dma2 semaphore(%arg27 : memref<!tpu.dma_semaphore, #tpu.memory_space<semaphore_mem>>) src(%dma_wait3A_342 : memref<2000xi32, #tpu.memory_space<hbm>>) dst(%arg10 : memref<2000xi32, #tpu.memory_space<vmem>>)
      %dma_wait3A_343 = tpu.memref_slice %arg4[%add3A_340] : memref<6400000xi32, #tpu.memory_space<hbm>> -> memref<2000xi32, #tpu.memory_space<hbm>>
      %dma_wait3A_344 = tpu.memref_slice %arg4[%add3A_340] : memref<6400000xi32, #tpu.memory_space<hbm>> -> memref<2000xi32, #tpu.memory_space<hbm>>
      tpu.wait_dma2 semaphore(%arg27 : memref<!tpu.dma_semaphore, #tpu.memory_space<semaphore_mem>>) src(%dma_wait3A_344 : memref<2000xi32, #tpu.memory_space<hbm>>) dst(%arg11 : memref<2000xi32, #tpu.memory_space<vmem>>)
      %dma_wait3A_345 = tpu.memref_slice %arg5[%add3A_340] : memref<6400000xf32, #tpu.memory_space<hbm>> -> memref<2000xf32, #tpu.memory_space<hbm>>
      %dma_wait3A_346 = tpu.memref_slice %arg5[%add3A_340] : memref<6400000xf32, #tpu.memory_space<hbm>> -> memref<2000xf32, #tpu.memory_space<hbm>>
      tpu.wait_dma2 semaphore(%arg27 : memref<!tpu.dma_semaphore, #tpu.memory_space<semaphore_mem>>) src(%dma_wait3A_346 : memref<2000xf32, #tpu.memory_space<hbm>>) dst(%arg12 : memref<2000xf32, #tpu.memory_space<vmem>>)
      %dma_start3A_347 = arith.constant 0 : i32
      %dma_start3A_348 = arith.constant 0 : i32
      %dma_start3A_349 = tpu.memref_slice %arg2[%dma_start3A_347, %dma_start3A_348] : memref<100000x8xf32, #tpu.memory_space<hbm>> -> memref<100000x8xf32, #tpu.memory_space<hbm>>
      tpu.enqueue_indirect_dma source(%dma_start3A_349 : memref<100000x8xf32, #tpu.memory_space<hbm>>) target(%arg19 : memref<2000x8xf32, #tpu.memory_space<vmem>>) offsets(%arg10 : memref<2000xi32, #tpu.memory_space<vmem>>) semaphore(%arg23 : memref<!tpu.dma_semaphore, #tpu.memory_space<semaphore_mem>>)
      %add3A_350 = arith.constant 4 : i32
      %add3A_351 = arith.addi %scan3A_173, %add3A_350 : i32
      %dma_wait3A_352 = arith.constant 0 : i32
      %dma_wait3A_353 = arith.constant 0 : i32
      %dma_wait3A_354 = tpu.memref_slice %arg2[%dma_wait3A_352, %dma_wait3A_353] : memref<100000x8xf32, #tpu.memory_space<hbm>> -> memref<100000x8xf32, #tpu.memory_space<hbm>>
      tpu.wait_indirect_dma semaphore(%arg23 : memref<!tpu.dma_semaphore, #tpu.memory_space<semaphore_mem>>) src(%dma_wait3A_354 : memref<100000x8xf32, #tpu.memory_space<hbm>>) dst(%arg19 : memref<2000x8xf32, #tpu.memory_space<vmem>>)
      %dma_start3A_355 = arith.constant 0 : i32
      %dma_start3A_356 = arith.constant 0 : i32
      %dma_start3A_357 = tpu.memref_slice %arg21[%dma_start3A_355, %dma_start3A_356] : memref<100000x8xf32, #tpu.memory_space<vmem_shared>> -> memref<100000x8xf32, #tpu.memory_space<vmem_shared>>
      tpu.enqueue_indirect_dma source(%arg19 : memref<2000x8xf32, #tpu.memory_space<vmem>>) target(%dma_start3A_357 : memref<100000x8xf32, #tpu.memory_space<vmem_shared>>) offsets(%arg11 : memref<2000xi32, #tpu.memory_space<vmem>>) semaphore(%arg25 : memref<!tpu.dma_semaphore, #tpu.memory_space<semaphore_mem>>) {add = true}
      %dma_start3A_358 = arith.constant 0 : i32
      %dma_start3A_359 = tpu.memref_slice %arg22[%dma_start3A_358] : memref<100000xf32, #tpu.memory_space<vmem_shared>> -> memref<100000xf32, #tpu.memory_space<vmem_shared>>
      tpu.enqueue_indirect_dma source(%arg12 : memref<2000xf32, #tpu.memory_space<vmem>>) target(%dma_start3A_359 : memref<100000xf32, #tpu.memory_space<vmem_shared>>) offsets(%arg11 : memref<2000xi32, #tpu.memory_space<vmem>>) semaphore(%arg25 : memref<!tpu.dma_semaphore, #tpu.memory_space<semaphore_mem>>) {add = true}
      %dma_wait3A_360 = arith.constant 0 : i32
      %dma_wait3A_361 = arith.constant 0 : i32
      %dma_wait3A_362 = tpu.memref_slice %arg21[%dma_wait3A_360, %dma_wait3A_361] : memref<100000x8xf32, #tpu.memory_space<vmem_shared>> -> memref<100000x8xf32, #tpu.memory_space<vmem_shared>>
      tpu.wait_indirect_dma semaphore(%arg26 : memref<!tpu.dma_semaphore, #tpu.memory_space<semaphore_mem>>) src(%arg20 : memref<2000x8xf32, #tpu.memory_space<vmem>>) dst(%dma_wait3A_362 : memref<100000x8xf32, #tpu.memory_space<vmem_shared>>)
      %dma_wait3A_363 = arith.constant 0 : i32
      %dma_wait3A_364 = tpu.memref_slice %arg22[%dma_wait3A_363] : memref<100000xf32, #tpu.memory_space<vmem_shared>> -> memref<100000xf32, #tpu.memory_space<vmem_shared>>
      tpu.wait_indirect_dma semaphore(%arg26 : memref<!tpu.dma_semaphore, #tpu.memory_space<semaphore_mem>>) src(%arg18 : memref<2000xf32, #tpu.memory_space<vmem>>) dst(%dma_wait3A_364 : memref<100000xf32, #tpu.memory_space<vmem_shared>>)
      %add3A_365 = arith.constant 2 : i32
      %add3A_366 = arith.addi %add3A_351, %add3A_365 : i32
      %mul3A_367 = arith.constant 200000 : i32
      %mul3A_368 = arith.muli %add3A, %mul3A_367 : i32
      %mul3A_369 = arith.constant 2000 : i32
      %mul3A_370 = arith.muli %add3A_366, %mul3A_369 : i32
      %add3A_371 = arith.addi %mul3A_368, %mul3A_370 : i32
      %dma_start3A_372 = tpu.memref_slice %arg3[%add3A_371] : memref<6400000xi32, #tpu.memory_space<hbm>> -> memref<2000xi32, #tpu.memory_space<hbm>>
      %dma_start3A_373 = tpu.memref_slice %arg3[%add3A_371] : memref<6400000xi32, #tpu.memory_space<hbm>> -> memref<2000xi32, #tpu.memory_space<hbm>>
      tpu.enqueue_dma source(%dma_start3A_373 : memref<2000xi32, #tpu.memory_space<hbm>>) target(%arg16 : memref<2000xi32, #tpu.memory_space<vmem>>) target_semaphore(%arg29 : memref<!tpu.dma_semaphore, #tpu.memory_space<semaphore_mem>>)
      %dma_start3A_374 = tpu.memref_slice %arg4[%add3A_371] : memref<6400000xi32, #tpu.memory_space<hbm>> -> memref<2000xi32, #tpu.memory_space<hbm>>
      %dma_start3A_375 = tpu.memref_slice %arg4[%add3A_371] : memref<6400000xi32, #tpu.memory_space<hbm>> -> memref<2000xi32, #tpu.memory_space<hbm>>
      tpu.enqueue_dma source(%dma_start3A_375 : memref<2000xi32, #tpu.memory_space<hbm>>) target(%arg17 : memref<2000xi32, #tpu.memory_space<vmem>>) target_semaphore(%arg29 : memref<!tpu.dma_semaphore, #tpu.memory_space<semaphore_mem>>)
      %dma_start3A_376 = tpu.memref_slice %arg5[%add3A_371] : memref<6400000xf32, #tpu.memory_space<hbm>> -> memref<2000xf32, #tpu.memory_space<hbm>>
      %dma_start3A_377 = tpu.memref_slice %arg5[%add3A_371] : memref<6400000xf32, #tpu.memory_space<hbm>> -> memref<2000xf32, #tpu.memory_space<hbm>>
      tpu.enqueue_dma source(%dma_start3A_377 : memref<2000xf32, #tpu.memory_space<hbm>>) target(%arg18 : memref<2000xf32, #tpu.memory_space<vmem>>) target_semaphore(%arg29 : memref<!tpu.dma_semaphore, #tpu.memory_space<semaphore_mem>>)
      %add3A_378 = arith.constant 1 : i32
      %add3A_379 = arith.addi %add3A_351, %add3A_378 : i32
      %mul3A_380 = arith.constant 200000 : i32
      %mul3A_381 = arith.muli %add3A, %mul3A_380 : i32
      %mul3A_382 = arith.constant 2000 : i32
      %mul3A_383 = arith.muli %add3A_379, %mul3A_382 : i32
      %add3A_384 = arith.addi %mul3A_381, %mul3A_383 : i32
      %dma_wait3A_385 = tpu.memref_slice %arg3[%add3A_384] : memref<6400000xi32, #tpu.memory_space<hbm>> -> memref<2000xi32, #tpu.memory_space<hbm>>
      %dma_wait3A_386 = tpu.memref_slice %arg3[%add3A_384] : memref<6400000xi32, #tpu.memory_space<hbm>> -> memref<2000xi32, #tpu.memory_space<hbm>>
      tpu.wait_dma2 semaphore(%arg28 : memref<!tpu.dma_semaphore, #tpu.memory_space<semaphore_mem>>) src(%dma_wait3A_386 : memref<2000xi32, #tpu.memory_space<hbm>>) dst(%arg13 : memref<2000xi32, #tpu.memory_space<vmem>>)
      %dma_wait3A_387 = tpu.memref_slice %arg4[%add3A_384] : memref<6400000xi32, #tpu.memory_space<hbm>> -> memref<2000xi32, #tpu.memory_space<hbm>>
      %dma_wait3A_388 = tpu.memref_slice %arg4[%add3A_384] : memref<6400000xi32, #tpu.memory_space<hbm>> -> memref<2000xi32, #tpu.memory_space<hbm>>
      tpu.wait_dma2 semaphore(%arg28 : memref<!tpu.dma_semaphore, #tpu.memory_space<semaphore_mem>>) src(%dma_wait3A_388 : memref<2000xi32, #tpu.memory_space<hbm>>) dst(%arg14 : memref<2000xi32, #tpu.memory_space<vmem>>)
      %dma_wait3A_389 = tpu.memref_slice %arg5[%add3A_384] : memref<6400000xf32, #tpu.memory_space<hbm>> -> memref<2000xf32, #tpu.memory_space<hbm>>
      %dma_wait3A_390 = tpu.memref_slice %arg5[%add3A_384] : memref<6400000xf32, #tpu.memory_space<hbm>> -> memref<2000xf32, #tpu.memory_space<hbm>>
      tpu.wait_dma2 semaphore(%arg28 : memref<!tpu.dma_semaphore, #tpu.memory_space<semaphore_mem>>) src(%dma_wait3A_390 : memref<2000xf32, #tpu.memory_space<hbm>>) dst(%arg15 : memref<2000xf32, #tpu.memory_space<vmem>>)
      %dma_start3A_391 = arith.constant 0 : i32
      %dma_start3A_392 = arith.constant 0 : i32
      %dma_start3A_393 = tpu.memref_slice %arg2[%dma_start3A_391, %dma_start3A_392] : memref<100000x8xf32, #tpu.memory_space<hbm>> -> memref<100000x8xf32, #tpu.memory_space<hbm>>
      tpu.enqueue_indirect_dma source(%dma_start3A_393 : memref<100000x8xf32, #tpu.memory_space<hbm>>) target(%arg20 : memref<2000x8xf32, #tpu.memory_space<vmem>>) offsets(%arg13 : memref<2000xi32, #tpu.memory_space<vmem>>) semaphore(%arg24 : memref<!tpu.dma_semaphore, #tpu.memory_space<semaphore_mem>>)
      %add3A_394 = arith.constant 5 : i32
      %add3A_395 = arith.addi %scan3A_173, %add3A_394 : i32
      %dma_wait3A_396 = arith.constant 0 : i32
      %dma_wait3A_397 = arith.constant 0 : i32
      %dma_wait3A_398 = tpu.memref_slice %arg2[%dma_wait3A_396, %dma_wait3A_397] : memref<100000x8xf32, #tpu.memory_space<hbm>> -> memref<100000x8xf32, #tpu.memory_space<hbm>>
      tpu.wait_indirect_dma semaphore(%arg24 : memref<!tpu.dma_semaphore, #tpu.memory_space<semaphore_mem>>) src(%dma_wait3A_398 : memref<100000x8xf32, #tpu.memory_space<hbm>>) dst(%arg20 : memref<2000x8xf32, #tpu.memory_space<vmem>>)
      %dma_start3A_399 = arith.constant 0 : i32
      %dma_start3A_400 = arith.constant 0 : i32
      %dma_start3A_401 = tpu.memref_slice %arg21[%dma_start3A_399, %dma_start3A_400] : memref<100000x8xf32, #tpu.memory_space<vmem_shared>> -> memref<100000x8xf32, #tpu.memory_space<vmem_shared>>
      tpu.enqueue_indirect_dma source(%arg20 : memref<2000x8xf32, #tpu.memory_space<vmem>>) target(%dma_start3A_401 : memref<100000x8xf32, #tpu.memory_space<vmem_shared>>) offsets(%arg14 : memref<2000xi32, #tpu.memory_space<vmem>>) semaphore(%arg26 : memref<!tpu.dma_semaphore, #tpu.memory_space<semaphore_mem>>) {add = true}
      %dma_start3A_402 = arith.constant 0 : i32
      %dma_start3A_403 = tpu.memref_slice %arg22[%dma_start3A_402] : memref<100000xf32, #tpu.memory_space<vmem_shared>> -> memref<100000xf32, #tpu.memory_space<vmem_shared>>
      tpu.enqueue_indirect_dma source(%arg15 : memref<2000xf32, #tpu.memory_space<vmem>>) target(%dma_start3A_403 : memref<100000xf32, #tpu.memory_space<vmem_shared>>) offsets(%arg14 : memref<2000xi32, #tpu.memory_space<vmem>>) semaphore(%arg26 : memref<!tpu.dma_semaphore, #tpu.memory_space<semaphore_mem>>) {add = true}
      %dma_wait3A_404 = arith.constant 0 : i32
      %dma_wait3A_405 = arith.constant 0 : i32
      %dma_wait3A_406 = tpu.memref_slice %arg21[%dma_wait3A_404, %dma_wait3A_405] : memref<100000x8xf32, #tpu.memory_space<vmem_shared>> -> memref<100000x8xf32, #tpu.memory_space<vmem_shared>>
      tpu.wait_indirect_dma semaphore(%arg25 : memref<!tpu.dma_semaphore, #tpu.memory_space<semaphore_mem>>) src(%arg19 : memref<2000x8xf32, #tpu.memory_space<vmem>>) dst(%dma_wait3A_406 : memref<100000x8xf32, #tpu.memory_space<vmem_shared>>)
      %dma_wait3A_407 = arith.constant 0 : i32
      %dma_wait3A_408 = tpu.memref_slice %arg22[%dma_wait3A_407] : memref<100000xf32, #tpu.memory_space<vmem_shared>> -> memref<100000xf32, #tpu.memory_space<vmem_shared>>
      tpu.wait_indirect_dma semaphore(%arg25 : memref<!tpu.dma_semaphore, #tpu.memory_space<semaphore_mem>>) src(%arg12 : memref<2000xf32, #tpu.memory_space<vmem>>) dst(%dma_wait3A_408 : memref<100000xf32, #tpu.memory_space<vmem_shared>>)
      %add3A_409 = arith.constant 2 : i32
      %add3A_410 = arith.addi %add3A_395, %add3A_409 : i32
      %mul3A_411 = arith.constant 200000 : i32
      %mul3A_412 = arith.muli %add3A, %mul3A_411 : i32
      %mul3A_413 = arith.constant 2000 : i32
      %mul3A_414 = arith.muli %add3A_410, %mul3A_413 : i32
      %add3A_415 = arith.addi %mul3A_412, %mul3A_414 : i32
      %dma_start3A_416 = tpu.memref_slice %arg3[%add3A_415] : memref<6400000xi32, #tpu.memory_space<hbm>> -> memref<2000xi32, #tpu.memory_space<hbm>>
      %dma_start3A_417 = tpu.memref_slice %arg3[%add3A_415] : memref<6400000xi32, #tpu.memory_space<hbm>> -> memref<2000xi32, #tpu.memory_space<hbm>>
      tpu.enqueue_dma source(%dma_start3A_417 : memref<2000xi32, #tpu.memory_space<hbm>>) target(%arg10 : memref<2000xi32, #tpu.memory_space<vmem>>) target_semaphore(%arg27 : memref<!tpu.dma_semaphore, #tpu.memory_space<semaphore_mem>>)
      %dma_start3A_418 = tpu.memref_slice %arg4[%add3A_415] : memref<6400000xi32, #tpu.memory_space<hbm>> -> memref<2000xi32, #tpu.memory_space<hbm>>
      %dma_start3A_419 = tpu.memref_slice %arg4[%add3A_415] : memref<6400000xi32, #tpu.memory_space<hbm>> -> memref<2000xi32, #tpu.memory_space<hbm>>
      tpu.enqueue_dma source(%dma_start3A_419 : memref<2000xi32, #tpu.memory_space<hbm>>) target(%arg11 : memref<2000xi32, #tpu.memory_space<vmem>>) target_semaphore(%arg27 : memref<!tpu.dma_semaphore, #tpu.memory_space<semaphore_mem>>)
      %dma_start3A_420 = tpu.memref_slice %arg5[%add3A_415] : memref<6400000xf32, #tpu.memory_space<hbm>> -> memref<2000xf32, #tpu.memory_space<hbm>>
      %dma_start3A_421 = tpu.memref_slice %arg5[%add3A_415] : memref<6400000xf32, #tpu.memory_space<hbm>> -> memref<2000xf32, #tpu.memory_space<hbm>>
      tpu.enqueue_dma source(%dma_start3A_421 : memref<2000xf32, #tpu.memory_space<hbm>>) target(%arg12 : memref<2000xf32, #tpu.memory_space<vmem>>) target_semaphore(%arg27 : memref<!tpu.dma_semaphore, #tpu.memory_space<semaphore_mem>>)
      %add3A_422 = arith.constant 1 : i32
      %add3A_423 = arith.addi %add3A_395, %add3A_422 : i32
      %mul3A_424 = arith.constant 200000 : i32
      %mul3A_425 = arith.muli %add3A, %mul3A_424 : i32
      %mul3A_426 = arith.constant 2000 : i32
      %mul3A_427 = arith.muli %add3A_423, %mul3A_426 : i32
      %add3A_428 = arith.addi %mul3A_425, %mul3A_427 : i32
      %dma_wait3A_429 = tpu.memref_slice %arg3[%add3A_428] : memref<6400000xi32, #tpu.memory_space<hbm>> -> memref<2000xi32, #tpu.memory_space<hbm>>
      %dma_wait3A_430 = tpu.memref_slice %arg3[%add3A_428] : memref<6400000xi32, #tpu.memory_space<hbm>> -> memref<2000xi32, #tpu.memory_space<hbm>>
      tpu.wait_dma2 semaphore(%arg29 : memref<!tpu.dma_semaphore, #tpu.memory_space<semaphore_mem>>) src(%dma_wait3A_430 : memref<2000xi32, #tpu.memory_space<hbm>>) dst(%arg16 : memref<2000xi32, #tpu.memory_space<vmem>>)
      %dma_wait3A_431 = tpu.memref_slice %arg4[%add3A_428] : memref<6400000xi32, #tpu.memory_space<hbm>> -> memref<2000xi32, #tpu.memory_space<hbm>>
      %dma_wait3A_432 = tpu.memref_slice %arg4[%add3A_428] : memref<6400000xi32, #tpu.memory_space<hbm>> -> memref<2000xi32, #tpu.memory_space<hbm>>
      tpu.wait_dma2 semaphore(%arg29 : memref<!tpu.dma_semaphore, #tpu.memory_space<semaphore_mem>>) src(%dma_wait3A_432 : memref<2000xi32, #tpu.memory_space<hbm>>) dst(%arg17 : memref<2000xi32, #tpu.memory_space<vmem>>)
      %dma_wait3A_433 = tpu.memref_slice %arg5[%add3A_428] : memref<6400000xf32, #tpu.memory_space<hbm>> -> memref<2000xf32, #tpu.memory_space<hbm>>
      %dma_wait3A_434 = tpu.memref_slice %arg5[%add3A_428] : memref<6400000xf32, #tpu.memory_space<hbm>> -> memref<2000xf32, #tpu.memory_space<hbm>>
      tpu.wait_dma2 semaphore(%arg29 : memref<!tpu.dma_semaphore, #tpu.memory_space<semaphore_mem>>) src(%dma_wait3A_434 : memref<2000xf32, #tpu.memory_space<hbm>>) dst(%arg18 : memref<2000xf32, #tpu.memory_space<vmem>>)
      %dma_start3A_435 = arith.constant 0 : i32
      %dma_start3A_436 = arith.constant 0 : i32
      %dma_start3A_437 = tpu.memref_slice %arg2[%dma_start3A_435, %dma_start3A_436] : memref<100000x8xf32, #tpu.memory_space<hbm>> -> memref<100000x8xf32, #tpu.memory_space<hbm>>
      tpu.enqueue_indirect_dma source(%dma_start3A_437 : memref<100000x8xf32, #tpu.memory_space<hbm>>) target(%arg19 : memref<2000x8xf32, #tpu.memory_space<vmem>>) offsets(%arg16 : memref<2000xi32, #tpu.memory_space<vmem>>) semaphore(%arg23 : memref<!tpu.dma_semaphore, #tpu.memory_space<semaphore_mem>>)
      %add3A_438 = arith.constant 6 : i32
      %add3A_439 = arith.addi %scan3A_173, %add3A_438 : i32
      scf.yield %add3A_439 : i32
    }
    %scan3A_110 = arith.constant 16 : i32
    %add3A_111 = arith.constant 0 : i32
    %add3A_112 = arith.addi %scan3A_109, %add3A_111 : i32
    %dma_wait3A_113 = arith.constant 0 : i32
    %dma_wait3A_114 = arith.constant 0 : i32
    %dma_wait3A_115 = tpu.memref_slice %arg2[%dma_wait3A_113, %dma_wait3A_114] : memref<100000x8xf32, #tpu.memory_space<hbm>> -> memref<100000x8xf32, #tpu.memory_space<hbm>>
    tpu.wait_indirect_dma semaphore(%arg23 : memref<!tpu.dma_semaphore, #tpu.memory_space<semaphore_mem>>) src(%dma_wait3A_115 : memref<100000x8xf32, #tpu.memory_space<hbm>>) dst(%arg19 : memref<2000x8xf32, #tpu.memory_space<vmem>>)
    %dma_start3A_116 = arith.constant 0 : i32
    %dma_start3A_117 = arith.constant 0 : i32
    %dma_start3A_118 = tpu.memref_slice %arg21[%dma_start3A_116, %dma_start3A_117] : memref<100000x8xf32, #tpu.memory_space<vmem_shared>> -> memref<100000x8xf32, #tpu.memory_space<vmem_shared>>
    tpu.enqueue_indirect_dma source(%arg19 : memref<2000x8xf32, #tpu.memory_space<vmem>>) target(%dma_start3A_118 : memref<100000x8xf32, #tpu.memory_space<vmem_shared>>) offsets(%arg17 : memref<2000xi32, #tpu.memory_space<vmem>>) semaphore(%arg25 : memref<!tpu.dma_semaphore, #tpu.memory_space<semaphore_mem>>) {add = true}
    %dma_start3A_119 = arith.constant 0 : i32
    %dma_start3A_120 = tpu.memref_slice %arg22[%dma_start3A_119] : memref<100000xf32, #tpu.memory_space<vmem_shared>> -> memref<100000xf32, #tpu.memory_space<vmem_shared>>
    tpu.enqueue_indirect_dma source(%arg18 : memref<2000xf32, #tpu.memory_space<vmem>>) target(%dma_start3A_120 : memref<100000xf32, #tpu.memory_space<vmem_shared>>) offsets(%arg17 : memref<2000xi32, #tpu.memory_space<vmem>>) semaphore(%arg25 : memref<!tpu.dma_semaphore, #tpu.memory_space<semaphore_mem>>) {add = true}
    %dma_wait3A_121 = arith.constant 0 : i32
    %dma_wait3A_122 = arith.constant 0 : i32
    %dma_wait3A_123 = tpu.memref_slice %arg21[%dma_wait3A_121, %dma_wait3A_122] : memref<100000x8xf32, #tpu.memory_space<vmem_shared>> -> memref<100000x8xf32, #tpu.memory_space<vmem_shared>>
    tpu.wait_indirect_dma semaphore(%arg26 : memref<!tpu.dma_semaphore, #tpu.memory_space<semaphore_mem>>) src(%arg20 : memref<2000x8xf32, #tpu.memory_space<vmem>>) dst(%dma_wait3A_123 : memref<100000x8xf32, #tpu.memory_space<vmem_shared>>)
    %dma_wait3A_124 = arith.constant 0 : i32
    %dma_wait3A_125 = tpu.memref_slice %arg22[%dma_wait3A_124] : memref<100000xf32, #tpu.memory_space<vmem_shared>> -> memref<100000xf32, #tpu.memory_space<vmem_shared>>
    tpu.wait_indirect_dma semaphore(%arg26 : memref<!tpu.dma_semaphore, #tpu.memory_space<semaphore_mem>>) src(%arg15 : memref<2000xf32, #tpu.memory_space<vmem>>) dst(%dma_wait3A_125 : memref<100000xf32, #tpu.memory_space<vmem_shared>>)
    %add3A_126 = arith.constant 1 : i32
    %add3A_127 = arith.addi %add3A_112, %add3A_126 : i32
    %mul3A_128 = arith.constant 200000 : i32
    %mul3A_129 = arith.muli %add3A, %mul3A_128 : i32
    %mul3A_130 = arith.constant 2000 : i32
    %mul3A_131 = arith.muli %add3A_127, %mul3A_130 : i32
    %add3A_132 = arith.addi %mul3A_129, %mul3A_131 : i32
    %dma_wait3A_133 = tpu.memref_slice %arg3[%add3A_132] : memref<6400000xi32, #tpu.memory_space<hbm>> -> memref<2000xi32, #tpu.memory_space<hbm>>
    %dma_wait3A_134 = tpu.memref_slice %arg3[%add3A_132] : memref<6400000xi32, #tpu.memory_space<hbm>> -> memref<2000xi32, #tpu.memory_space<hbm>>
    tpu.wait_dma2 semaphore(%arg27 : memref<!tpu.dma_semaphore, #tpu.memory_space<semaphore_mem>>) src(%dma_wait3A_134 : memref<2000xi32, #tpu.memory_space<hbm>>) dst(%arg10 : memref<2000xi32, #tpu.memory_space<vmem>>)
    %dma_wait3A_135 = tpu.memref_slice %arg4[%add3A_132] : memref<6400000xi32, #tpu.memory_space<hbm>> -> memref<2000xi32, #tpu.memory_space<hbm>>
    %dma_wait3A_136 = tpu.memref_slice %arg4[%add3A_132] : memref<6400000xi32, #tpu.memory_space<hbm>> -> memref<2000xi32, #tpu.memory_space<hbm>>
    tpu.wait_dma2 semaphore(%arg27 : memref<!tpu.dma_semaphore, #tpu.memory_space<semaphore_mem>>) src(%dma_wait3A_136 : memref<2000xi32, #tpu.memory_space<hbm>>) dst(%arg11 : memref<2000xi32, #tpu.memory_space<vmem>>)
    %dma_wait3A_137 = tpu.memref_slice %arg5[%add3A_132] : memref<6400000xf32, #tpu.memory_space<hbm>> -> memref<2000xf32, #tpu.memory_space<hbm>>
    %dma_wait3A_138 = tpu.memref_slice %arg5[%add3A_132] : memref<6400000xf32, #tpu.memory_space<hbm>> -> memref<2000xf32, #tpu.memory_space<hbm>>
    tpu.wait_dma2 semaphore(%arg27 : memref<!tpu.dma_semaphore, #tpu.memory_space<semaphore_mem>>) src(%dma_wait3A_138 : memref<2000xf32, #tpu.memory_space<hbm>>) dst(%arg12 : memref<2000xf32, #tpu.memory_space<vmem>>)
    %dma_start3A_139 = arith.constant 0 : i32
    %dma_start3A_140 = arith.constant 0 : i32
    %dma_start3A_141 = tpu.memref_slice %arg2[%dma_start3A_139, %dma_start3A_140] : memref<100000x8xf32, #tpu.memory_space<hbm>> -> memref<100000x8xf32, #tpu.memory_space<hbm>>
    tpu.enqueue_indirect_dma source(%dma_start3A_141 : memref<100000x8xf32, #tpu.memory_space<hbm>>) target(%arg20 : memref<2000x8xf32, #tpu.memory_space<vmem>>) offsets(%arg10 : memref<2000xi32, #tpu.memory_space<vmem>>) semaphore(%arg24 : memref<!tpu.dma_semaphore, #tpu.memory_space<semaphore_mem>>)
    %add3A_142 = arith.constant 1 : i32
    %add3A_143 = arith.addi %scan3A_109, %add3A_142 : i32
    %dma_wait3A_144 = arith.constant 0 : i32
    %dma_wait3A_145 = arith.constant 0 : i32
    %dma_wait3A_146 = tpu.memref_slice %arg2[%dma_wait3A_144, %dma_wait3A_145] : memref<100000x8xf32, #tpu.memory_space<hbm>> -> memref<100000x8xf32, #tpu.memory_space<hbm>>
    tpu.wait_indirect_dma semaphore(%arg24 : memref<!tpu.dma_semaphore, #tpu.memory_space<semaphore_mem>>) src(%dma_wait3A_146 : memref<100000x8xf32, #tpu.memory_space<hbm>>) dst(%arg20 : memref<2000x8xf32, #tpu.memory_space<vmem>>)
    %dma_start3A_147 = arith.constant 0 : i32
    %dma_start3A_148 = arith.constant 0 : i32
    %dma_start3A_149 = tpu.memref_slice %arg21[%dma_start3A_147, %dma_start3A_148] : memref<100000x8xf32, #tpu.memory_space<vmem_shared>> -> memref<100000x8xf32, #tpu.memory_space<vmem_shared>>
    tpu.enqueue_indirect_dma source(%arg20 : memref<2000x8xf32, #tpu.memory_space<vmem>>) target(%dma_start3A_149 : memref<100000x8xf32, #tpu.memory_space<vmem_shared>>) offsets(%arg11 : memref<2000xi32, #tpu.memory_space<vmem>>) semaphore(%arg26 : memref<!tpu.dma_semaphore, #tpu.memory_space<semaphore_mem>>) {add = true}
    %dma_start3A_150 = arith.constant 0 : i32
    %dma_start3A_151 = tpu.memref_slice %arg22[%dma_start3A_150] : memref<100000xf32, #tpu.memory_space<vmem_shared>> -> memref<100000xf32, #tpu.memory_space<vmem_shared>>
    tpu.enqueue_indirect_dma source(%arg12 : memref<2000xf32, #tpu.memory_space<vmem>>) target(%dma_start3A_151 : memref<100000xf32, #tpu.memory_space<vmem_shared>>) offsets(%arg11 : memref<2000xi32, #tpu.memory_space<vmem>>) semaphore(%arg26 : memref<!tpu.dma_semaphore, #tpu.memory_space<semaphore_mem>>) {add = true}
    %dma_wait3A_152 = arith.constant 0 : i32
    %dma_wait3A_153 = arith.constant 0 : i32
    %dma_wait3A_154 = tpu.memref_slice %arg21[%dma_wait3A_152, %dma_wait3A_153] : memref<100000x8xf32, #tpu.memory_space<vmem_shared>> -> memref<100000x8xf32, #tpu.memory_space<vmem_shared>>
    tpu.wait_indirect_dma semaphore(%arg25 : memref<!tpu.dma_semaphore, #tpu.memory_space<semaphore_mem>>) src(%arg19 : memref<2000x8xf32, #tpu.memory_space<vmem>>) dst(%dma_wait3A_154 : memref<100000x8xf32, #tpu.memory_space<vmem_shared>>)
    %dma_wait3A_155 = arith.constant 0 : i32
    %dma_wait3A_156 = tpu.memref_slice %arg22[%dma_wait3A_155] : memref<100000xf32, #tpu.memory_space<vmem_shared>> -> memref<100000xf32, #tpu.memory_space<vmem_shared>>
    tpu.wait_indirect_dma semaphore(%arg25 : memref<!tpu.dma_semaphore, #tpu.memory_space<semaphore_mem>>) src(%arg18 : memref<2000xf32, #tpu.memory_space<vmem>>) dst(%dma_wait3A_156 : memref<100000xf32, #tpu.memory_space<vmem_shared>>)
    %dma_wait3A_157 = arith.constant 0 : i32
    %dma_wait3A_158 = arith.constant 0 : i32
    %dma_wait3A_159 = tpu.memref_slice %arg21[%dma_wait3A_157, %dma_wait3A_158] : memref<100000x8xf32, #tpu.memory_space<vmem_shared>> -> memref<100000x8xf32, #tpu.memory_space<vmem_shared>>
    tpu.wait_indirect_dma semaphore(%arg26 : memref<!tpu.dma_semaphore, #tpu.memory_space<semaphore_mem>>) src(%arg20 : memref<2000x8xf32, #tpu.memory_space<vmem>>) dst(%dma_wait3A_159 : memref<100000x8xf32, #tpu.memory_space<vmem_shared>>)
    %dma_wait3A_160 = arith.constant 0 : i32
    %dma_wait3A_161 = tpu.memref_slice %arg22[%dma_wait3A_160] : memref<100000xf32, #tpu.memory_space<vmem_shared>> -> memref<100000xf32, #tpu.memory_space<vmem_shared>>
    tpu.wait_indirect_dma semaphore(%arg26 : memref<!tpu.dma_semaphore, #tpu.memory_space<semaphore_mem>>) src(%arg12 : memref<2000xf32, #tpu.memory_space<vmem>>) dst(%dma_wait3A_161 : memref<100000xf32, #tpu.memory_space<vmem_shared>>)
    %barrier3A_162 = arith.constant 0 : index
    tpu.barrier barrier_id(%barrier3A_162)
    %mul3A_163 = arith.constant 6250 : i32
    %mul3A_164 = arith.muli %arg1, %mul3A_163 : i32
    %mul3A_165 = arith.constant 6250 : i32
    %mul3A_166 = arith.muli %arg1, %mul3A_165 : i32
    "tpu.region"() ({
      %run_scoped3A = tpu.sem_alloc : memref<!tpu.dma_semaphore, #tpu.memory_space<semaphore_mem>>
      %dma_start3A_172 = arith.constant 0 : i32
      %dma_start3A_173 = tpu.memref_slice %arg8[%arg0, %mul3A_166, %dma_start3A_172] : memref<2x100000x8xf32, #tpu.memory_space<hbm>> -> memref<1x6250x8xf32, #tpu.memory_space<hbm>>
      %dma_start3A_174 = tpu.memref_squeeze %dma_start3A_173 : memref<1x6250x8xf32, #tpu.memory_space<hbm>> -> memref<6250x8xf32, #tpu.memory_space<hbm>>
      %dma_start3A_175 = arith.constant 0 : i32
      %dma_start3A_176 = tpu.memref_slice %arg21[%mul3A_164, %dma_start3A_175] : memref<100000x8xf32, #tpu.memory_space<vmem_shared>> -> memref<6250x8xf32, #tpu.memory_space<vmem_shared>>
      tpu.enqueue_dma source(%dma_start3A_176 : memref<6250x8xf32, #tpu.memory_space<vmem_shared>>) target(%dma_start3A_174 : memref<6250x8xf32, #tpu.memory_space<hbm>>) target_semaphore(%run_scoped3A : memref<!tpu.dma_semaphore, #tpu.memory_space<semaphore_mem>>)
      %dma_wait3A_177 = arith.constant 0 : i32
      %dma_wait3A_178 = tpu.memref_slice %arg8[%arg0, %mul3A_166, %dma_wait3A_177] : memref<2x100000x8xf32, #tpu.memory_space<hbm>> -> memref<1x6250x8xf32, #tpu.memory_space<hbm>>
      %dma_wait3A_179 = tpu.memref_squeeze %dma_wait3A_178 : memref<1x6250x8xf32, #tpu.memory_space<hbm>> -> memref<6250x8xf32, #tpu.memory_space<hbm>>
      %dma_wait3A_180 = arith.constant 0 : i32
      %dma_wait3A_181 = tpu.memref_slice %arg21[%mul3A_164, %dma_wait3A_180] : memref<100000x8xf32, #tpu.memory_space<vmem_shared>> -> memref<6250x8xf32, #tpu.memory_space<vmem_shared>>
      tpu.wait_dma2 semaphore(%run_scoped3A : memref<!tpu.dma_semaphore, #tpu.memory_space<semaphore_mem>>) src(%dma_wait3A_181 : memref<6250x8xf32, #tpu.memory_space<vmem_shared>>) dst(%dma_wait3A_179 : memref<6250x8xf32, #tpu.memory_space<hbm>>)
      tpu.yield
    }) : () -> ()
    %eq3A_167 = arith.constant 0 : i32
    %eq3A_168 = arith.cmpi eq, %arg1, %eq3A_167 : i32
    %convert_element_type3A_169 = arith.extui %eq3A_168 : i1 to i32
    %cond3A_170 = arith.constant 0 : i32
    %cond3A_171 = arith.cmpi ne, %convert_element_type3A_169, %cond3A_170 : i32
    scf.if %cond3A_171 {
      "tpu.region"() ({
        %run_scoped3A = tpu.sem_alloc : memref<!tpu.dma_semaphore, #tpu.memory_space<semaphore_mem>>
        %dma_start3A_172 = arith.constant 0 : i32
        %dma_start3A_173 = tpu.memref_slice %arg9[%arg0, %dma_start3A_172] : memref<2x100000xf32, #tpu.memory_space<hbm>> -> memref<1x100000xf32, #tpu.memory_space<hbm>>
        %dma_start3A_174 = tpu.memref_squeeze %dma_start3A_173 : memref<1x100000xf32, #tpu.memory_space<hbm>> -> memref<100000xf32, #tpu.memory_space<hbm>>
        tpu.enqueue_dma source(%arg22 : memref<100000xf32, #tpu.memory_space<vmem_shared>>) target(%dma_start3A_174 : memref<100000xf32, #tpu.memory_space<hbm>>) target_semaphore(%run_scoped3A : memref<!tpu.dma_semaphore, #tpu.memory_space<semaphore_mem>>)
        %dma_wait3A_175 = arith.constant 0 : i32
        %dma_wait3A_176 = tpu.memref_slice %arg9[%arg0, %dma_wait3A_175] : memref<2x100000xf32, #tpu.memory_space<hbm>> -> memref<1x100000xf32, #tpu.memory_space<hbm>>
        %dma_wait3A_177 = tpu.memref_squeeze %dma_wait3A_176 : memref<1x100000xf32, #tpu.memory_space<hbm>> -> memref<100000xf32, #tpu.memory_space<hbm>>
        tpu.wait_dma2 semaphore(%run_scoped3A : memref<!tpu.dma_semaphore, #tpu.memory_space<semaphore_mem>>) src(%arg22 : memref<100000xf32, #tpu.memory_space<vmem_shared>>) dst(%dma_wait3A_177 : memref<100000xf32, #tpu.memory_space<hbm>>)
        tpu.yield
      }) : () -> ()
    } else {
    }
    return
  }
}

module attributes {stable_mosaic.version = 14 : i64} {
  func.func @_combine_body(%arg0: i32, %arg1: memref<8x12800xf32, #tpu.memory_space<vmem>>, %arg2: memref<2x12800x8xf32, #tpu.memory_space<vmem>>, %arg3: memref<2x12800xf32, #tpu.memory_space<vmem>>, %arg4: memref<8x8xf32, #tpu.memory_space<vmem>>, %arg5: memref<8x1xf32, #tpu.memory_space<vmem>>, %arg6: memref<8x1xf32, #tpu.memory_space<vmem>>, %arg7: memref<8x1xf32, #tpu.memory_space<vmem>>, %arg8: memref<8x12800xf32, #tpu.memory_space<vmem>>) attributes {dimension_semantics = [#tpu.dimension_semantics<arbitrary>], iteration_bounds = array<i64: 8>, scalar_prefetch = 0 : i64, scratch_operands = 0 : i64, tpu.core_type = #tpu.core_type<tc>, window_params = [{transform_indices = @transform_0, window_bounds = array<i64: 8, 12800>}, {transform_indices = @transform_1, window_bounds = array<i64: 2, 12800, 8>}, {transform_indices = @transform_2, window_bounds = array<i64: 2, 12800>}, {pipeline_mode = #tpu.pipeline_mode<synchronous>, transform_indices = @transform_3, window_bounds = array<i64: 8, 8>}, {pipeline_mode = #tpu.pipeline_mode<synchronous>, transform_indices = @transform_4, window_bounds = array<i64: 8, 1>}, {pipeline_mode = #tpu.pipeline_mode<synchronous>, transform_indices = @transform_5, window_bounds = array<i64: 8, 1>}, {pipeline_mode = #tpu.pipeline_mode<synchronous>, transform_indices = @transform_6, window_bounds = array<i64: 8, 1>}, {transform_indices = @transform_7, window_bounds = array<i64: 8, 12800>}]} {
    %get3A = arith.constant 0 : index
    %get3A_0 = arith.constant 0 : index
    %get3A_1 = arith.constant 0 : index
    %get3A_2 = vector.load %arg2[%get3A, %get3A_0, %get3A_1] : memref<2x12800x8xf32, #tpu.memory_space<vmem>>, vector<1x12800x8xf32>
    %get3A_3 = vector.shape_cast %get3A_2 : vector<1x12800x8xf32> to vector<12800x8xf32>
    %get3A_4 = arith.constant 1 : index
    %get3A_5 = arith.constant 0 : index
    %get3A_6 = arith.constant 0 : index
    %get3A_7 = vector.load %arg2[%get3A_4, %get3A_5, %get3A_6] : memref<2x12800x8xf32, #tpu.memory_space<vmem>>, vector<1x12800x8xf32>
    %get3A_8 = vector.shape_cast %get3A_7 : vector<1x12800x8xf32> to vector<12800x8xf32>
    %add3A = arith.addf %get3A_3, %get3A_8 : vector<12800x8xf32>
    %get3A_9 = arith.constant 0 : index
    %get3A_10 = arith.constant 0 : index
    %get3A_11 = vector.load %arg4[%get3A_9, %get3A_10] : memref<8x8xf32, #tpu.memory_space<vmem>>, vector<8x8xf32>
    %dot_general3A = arith.constant dense<0.000000e+00> : vector<8x12800xf32>
    %dot_general3A_12 = tpu.matmul %get3A_11, %add3A, %dot_general3A {dimension_numbers = #tpu.dot_dimension_numbers<[1], [1], [0], [0], [0, 0, 1, 0], [], []>, transpose_lhs_hint = false} : vector<8x8xf32>, vector<12800x8xf32>, vector<8x12800xf32> -> vector<8x12800xf32>
    %get3A_13 = arith.constant 0 : index
    %get3A_14 = arith.constant 0 : index
    %get3A_15 = vector.load %arg3[%get3A_13, %get3A_14] : memref<2x12800xf32, #tpu.memory_space<vmem>>, vector<1x12800xf32>
    %get3A_16 = arith.constant 1 : index
    %get3A_17 = arith.constant 0 : index
    %get3A_18 = vector.load %arg3[%get3A_16, %get3A_17] : memref<2x12800xf32, #tpu.memory_space<vmem>>, vector<1x12800xf32>
    %add3A_19 = arith.addf %get3A_15, %get3A_18 : vector<1x12800xf32>
    %get3A_20 = arith.constant 0 : index
    %get3A_21 = arith.constant 0 : index
    %get3A_22 = vector.load %arg6[%get3A_20, %get3A_21] : memref<8x1xf32, #tpu.memory_space<vmem>>, vector<8x1xf32>
    %get3A_23 = arith.constant 0 : index
    %get3A_24 = arith.constant 0 : index
    %get3A_25 = vector.load %arg1[%get3A_23, %get3A_24] : memref<8x12800xf32, #tpu.memory_space<vmem>>, vector<8x12800xf32>
    %mul3A = vector.broadcast %get3A_22 : vector<8x1xf32> to vector<8x12800xf32>
    %mul3A_26 = arith.mulf %mul3A, %get3A_25 : vector<8x12800xf32>
    %add3A_27 = arith.addf %mul3A_26, %dot_general3A_12 : vector<8x12800xf32>
    %get3A_28 = arith.constant 0 : index
    %get3A_29 = arith.constant 0 : index
    %get3A_30 = vector.load %arg5[%get3A_28, %get3A_29] : memref<8x1xf32, #tpu.memory_space<vmem>>, vector<8x1xf32>
    %mul3A_31 = vector.broadcast %get3A_30 : vector<8x1xf32> to vector<8x12800xf32>
    %mul3A_32 = vector.broadcast %add3A_19 : vector<1x12800xf32> to vector<8x12800xf32>
    %mul3A_33 = arith.mulf %mul3A_31, %mul3A_32 : vector<8x12800xf32>
    %add3A_34 = arith.addf %add3A_27, %mul3A_33 : vector<8x12800xf32>
    %get3A_35 = arith.constant 0 : index
    %get3A_36 = arith.constant 0 : index
    %get3A_37 = vector.load %arg7[%get3A_35, %get3A_36] : memref<8x1xf32, #tpu.memory_space<vmem>>, vector<8x1xf32>
    %add3A_38 = vector.broadcast %get3A_37 : vector<8x1xf32> to vector<8x12800xf32>
    %add3A_39 = arith.addf %add3A_34, %add3A_38 : vector<8x12800xf32>
    %swap3A = arith.constant 0 : index
    %swap3A_40 = arith.constant 0 : index
    %swap3A_41 = vector.load %arg8[%swap3A, %swap3A_40] : memref<8x12800xf32, #tpu.memory_space<vmem>>, vector<8x12800xf32>
    tpu.vector_store %arg8[%swap3A, %swap3A_40], %add3A_39 {strides = array<i32>} : memref<8x12800xf32, #tpu.memory_space<vmem>>, vector<8x12800xf32>,
    return
  }
  func.func @transform_0(%arg0: i32) -> (i32, i32) {
    %c0_i32 = arith.constant 0 : i32
    %c0_i32_0 = arith.constant 0 : i32
    return %c0_i32, %arg0 : i32, i32
  }
  func.func @transform_1(%arg0: i32) -> (i32, i32, i32) {
    %c0_i32 = arith.constant 0 : i32
    %c0_i32_0 = arith.constant 0 : i32
    %c0_i32_1 = arith.constant 0 : i32
    return %c0_i32, %arg0, %c0_i32_0 : i32, i32, i32
  }
  func.func @transform_2(%arg0: i32) -> (i32, i32) {
    %c0_i32 = arith.constant 0 : i32
    %c0_i32_0 = arith.constant 0 : i32
    return %c0_i32, %arg0 : i32, i32
  }
  func.func @transform_3(%arg0: i32) -> (i32, i32) {
    %c0_i32 = arith.constant 0 : i32
    %c0_i32_0 = arith.constant 0 : i32
    %c0_i32_1 = arith.constant 0 : i32
    return %c0_i32, %c0_i32_0 : i32, i32
  }
  func.func @transform_4(%arg0: i32) -> (i32, i32) {
    %c0_i32 = arith.constant 0 : i32
    %c0_i32_0 = arith.constant 0 : i32
    %c0_i32_1 = arith.constant 0 : i32
    return %c0_i32, %c0_i32_0 : i32, i32
  }
  func.func @transform_5(%arg0: i32) -> (i32, i32) {
    %c0_i32 = arith.constant 0 : i32
    %c0_i32_0 = arith.constant 0 : i32
    %c0_i32_1 = arith.constant 0 : i32
    return %c0_i32, %c0_i32_0 : i32, i32
  }
  func.func @transform_6(%arg0: i32) -> (i32, i32) {
    %c0_i32 = arith.constant 0 : i32
    %c0_i32_0 = arith.constant 0 : i32
    %c0_i32_1 = arith.constant 0 : i32
    return %c0_i32, %c0_i32_0 : i32, i32
  }
  func.func @transform_7(%arg0: i32) -> (i32, i32) {
    %c0_i32 = arith.constant 0 : i32
    %c0_i32_0 = arith.constant 0 : i32
    return %c0_i32, %arg0 : i32, i32
  }
}

</mosaic_0001>

<sc_bundles>
// kernel: kernel.4.cloned.1.call-start
scs
__scs_entry_jumppad:
0x0: {  	(pc) =	sbr.rel $0x88, $3  }
0x1: {  	(tag) =	ssettag $0x0;
	lr =	simm.s32 $0x1  }
0x2: {  	[smem:$0x3F98] =	sst lr;
	_ =	strace $0xD0000000  }
0x3: {  	_ = 	snop  }
0x4: {  	_ = 	snop  }
0x5: {  	_ = 	snop  }
0x6: {  	_ = 	snop  }
0x7: {  	_ = 	snop  }
__scs_overlays_trampoline_lowered:
0x8: {  	[smem:$0x3FA7] =	sst s0  }
0x9: {  	[smem:$0x3FA8] =	sst s1  }
0xa: {  	[smem:$0x3FA9] =	sst s2  }
0xb: {  	[smem:$0x3FAA] =	sst s3  }
0xc: {  	[smem:$0x3FAB] =	sst s4  }
0xd: {  	[smem:$0x3FAC] =	sst s5  }
0xe: {  	[smem:$0x3FAD] =	sst s6  }
0xf: {  	[smem:$0x3FAE] =	sst s7  }
0x10: {  	[smem:$0x3FAF] =	sst s8  }
0x11: {  	[smem:$0x3FB0] =	sst s9;
	s0 =	simm.s32 @!p0 $0x0  }
0x12: {  	s1 =	sld [smem:$0x3F96];
	s0 =	simm.s32 @p0 $0x1  }
0x13: {  	[smem:$0x3FB1] =	sst s0;
	s0 =	simm.s32 @!p1 $0x0  }
0x14: {  	s2 =	sld [smem:$0x3F95];
	s0 =	simm.s32 @p1 $0x1  }
0x15: {  	[smem:$0x3FB2] =	sst s0;
	s0 =	simm.s32 @!p2 $0x0  }
0x16: {  	s3 =	sld [smem:$0x3FDB];
	s0 =	simm.s32 @p2 $0x1  }
0x17: {  	s4 =	simm.s32 $0x1BF5;
	[smem:$0x3FB4] =	sst s0  }
0x18: {  	s0 =	sld [smem:$0x3F97];
	_ =	swait.ge [sflag:s4], $0x0  }
0x19: {  	s7 =	sld [smem:$0x3F98]  }
0x1a: {  	s8 =	sadd.s32 $0xFFFFE003, lr  }
0x1b: {  	s9 =	sadd.s32 $0xFFFFFEF7, lr;
	s5 =	simm.s32 $0xFFFFFFFF;
	p2 =	slt.u32 s8, $0xFFFFF086  }
0x1c: {  	p1 =	slt.u32 s9, $0xF7A;
	s5 =	simm.s32 @!p2 $0x0  }
0x1d: {  	s5 =	simm.s32 @p1 $0x1;
	p0 =	seq.s32 s7, s2  }
0x1e: {  	s7 =	smul.u32 @!p0 $0xF7A, s2;
	p2 =	seq.s32 @!p0 s5, $0x0  }
0x1f: {  	s9 =	smul.u32 $0xF7A, s1;
	s8 =	simm.s32 @!p0 $0x1BF5;
	p2 =	por !p2, p0  }
0x20: {  	[sflag:s8] =	ssyncset.s32 @!p0 $0xFFFFF086;
	s6 =	sadd.s32 @!p0 s3, s7;
	s7 =	simm.s32 @!p0 $0x108  }
0x21: {  	s3 =	sadd.s32 s3, s9;
	s6 =	sadd.s32 @!p0 $0x88, s6;
	s7 =	simm.s32 @p2 $0x1082  }
0x22: {  	[simem:s7], [sflag:s8] =	dma.local @!p0 [hbm:s6], $0xF7A  }
0x23: {  	s9 =	sor.u32 $0xD0000000, s2;
	s6 =	simm.s32 $0x108;
	_ =	swait.ge @!p0 [sflag:s8], $0x0  }
0x24: {  	s3 =	sadd.s32 $0x88, s3;
	s6 =	simm.s32 @!p1 $0x1082;
	[sflag:s4] =	ssyncset.s32 $0xFFFFF086  }
0x25: {  	[simem:s6], [sflag:s4] =	dma.local [hbm:s3], $0xF7A  }
0x26: {  	[smem:$0x3F98] =	sst s1;
	(tag) =	ssettag s2;
	_ =	strace s9  }
0x27: {  	s1 =	sld [smem:$0x3FA8]  }
0x28: {  	s2 =	sld [smem:$0x3FA9]  }
0x29: {  	s4 =	sld [smem:$0x3FAB]  }
0x2a: {  	p0 =	seq.s32 s5, $0x0;
	s5 =	sld [smem:$0x3FAC]  }
0x2b: {  	s6 =	sld [smem:$0x3FAD]  }
0x2c: {  	s7 =	sld [smem:$0x3FAE]  }
0x2d: {  	s3 =	simm.s32 $0x108;
	s8 =	sld [smem:$0x3FAF]  }
0x2e: {  	s3 =	simm.s32 @!p0 $0x1082;
	s9 =	sld [smem:$0x3FB0]  }
0x2f: {  	lr =	sadd.s32 s0, s3;
	s0 =	sld [smem:$0x3FA7]  }
0x30: {  	s3 =	sld [smem:$0x3FAA]  }
0x31: {  	[smem:$0x3FB3] =	sst s10  }
0x32: {  	s10 =	sld [smem:$0x3FB1];
	_ =	sdelay $0x3  }
0x33: {  	p0 =	seq.s32 s10, $0x1;
	s10 =	sld [smem:$0x3FB3];
	_ =	sdelay $0x3  }
0x34: {  	[smem:$0x3FB3] =	sst s10  }
0x35: {  	s10 =	sld [smem:$0x3FB2];
	_ =	sdelay $0x3  }
0x36: {  	p1 =	seq.s32 s10, $0x1;
	s10 =	sld [smem:$0x3FB3];
	_ =	sdelay $0x3  }
0x37: {  	[smem:$0x3FB3] =	sst s10  }
0x38: {  	s10 =	sld [smem:$0x3FB4]  }
0x39: {  	_ = 	snop;
	(pc) =	sbr.ind lr, $3  }
0x3a: {  	_ = 	snop  }
0x3b: {  	_ = 	snop  }
0x3c: {  	p2 =	seq.s32 s10, $0x1;
	s10 =	sld [smem:$0x3FB3]  }
0x3d: {  	_ =	shalt  }
0x3e: {  	_ =	shalt  }
0x3f: {  	_ =	shalt  }
0x40: {  	_ =	shalt  }
0x41: {  	_ =	shalt  }
0x42: {  	_ =	shalt  }
0x43: {  	_ =	shalt  }
0x44: {  	_ =	shalt  }
0x45: {  	_ =	shalt  }
0x46: {  	_ =	shalt  }
0x47: {  	_ =	shalt  }
0x48: {  	_ =	shalt  }
0x49: {  	_ =	shalt  }
0x4a: {  	_ =	shalt  }
0x4b: {  	_ =	shalt  }
0x4c: {  	_ =	shalt  }
0x4d: {  	_ =	shalt  }
0x4e: {  	_ =	shalt  }
0x4f: {  	_ =	shalt  }
0x50: {  	_ =	shalt  }
0x51: {  	_ =	shalt  }
0x52: {  	_ =	shalt  }
0x53: {  	_ =	shalt  }
0x54: {  	_ =	shalt  }
0x55: {  	_ =	shalt  }
0x56: {  	_ =	shalt  }
0x57: {  	_ =	shalt  }
0x58: {  	_ =	shalt  }
0x59: {  	_ =	shalt  }
0x5a: {  	_ =	shalt  }
0x5b: {  	_ =	shalt  }
0x5c: {  	_ =	shalt  }
0x5d: {  	_ =	shalt  }
0x5e: {  	_ =	shalt  }
0x5f: {  	_ =	shalt  }
0x60: {  	_ =	shalt  }
0x61: {  	_ =	shalt  }
0x62: {  	_ =	shalt  }
0x63: {  	_ =	shalt  }
0x64: {  	_ =	shalt  }
0x65: {  	_ =	shalt  }
0x66: {  	_ =	shalt  }
0x67: {  	_ =	shalt  }
0x68: {  	_ =	shalt  }
0x69: {  	_ =	shalt  }
0x6a: {  	_ =	shalt  }
0x6b: {  	_ =	shalt  }
0x6c: {  	_ =	shalt  }
0x6d: {  	_ =	shalt  }
0x6e: {  	_ =	shalt  }
0x6f: {  	_ =	shalt  }
0x70: {  	_ =	shalt  }
0x71: {  	_ =	shalt  }
0x72: {  	_ =	shalt  }
0x73: {  	_ =	shalt  }
0x74: {  	_ =	shalt  }
0x75: {  	_ =	shalt  }
0x76: {  	_ =	shalt  }
0x77: {  	_ =	shalt  }
0x78: {  	_ =	shalt  }
0x79: {  	_ =	shalt  }
0x7a: {  	_ =	shalt  }
0x7b: {  	_ =	shalt  }
0x7c: {  	_ =	shalt  }
0x7d: {  	_ =	shalt  }
0x7e: {  	_ =	shalt  }
0x7f: {  	_ =	shalt  }
0x80: {  	_ =	shalt  }
0x81: {  	_ =	shalt  }
0x82: {  	_ =	shalt  }
0x83: {  	_ =	shalt  }
0x84: {  	_ =	shalt  }
0x85: {  	_ =	shalt  }
0x86: {  	_ =	shalt  }
0x87: {  	_ =	shalt  }
.Lfunc_end0:
.L_simem_size_0:
called_computation_lowered:
.L_overlay_start_0:
0x88: {  	s2 =	sld [smem:$0x3FD9]  }
0x89: {  	s3 =	sld [smem:$0x3FFE];
	_ =	sdelay $0x1  }
0x8a: {  	s1 =	srdreg.scid  }
0x8b: {  	s0 =	sand.u32 $0x1, s1  }
0x8c: {  	s17 =	sshll.u32 s0, $0xA;
	s2 =	sadd.s32 s3, s2  }
0x8d: {  	s2 =	sadd.s32 s2, s17  }
0x8e: {  	[smem:$0x3FBF] =	sst s2  }
0x8f: {  	_ = 	snop  }
0x90: {  	s2 =	sld [smem:$0x3FC7]  }
0x91: {  	s18 =	sld [smem:$0x3FC6]  }
0x92: {  	s4 =	sld [smem:$0x3FD0];
	(tm) =	ssettm $0x1  }
0x93: {  	s5 =	sld [smem:$0x3FFB];
	_ =	sdelay $0x3  }
0x94: {  	_ =	strace s5  }
0x95: {  	s5 =	sld [smem:$0x3FFC];
	_ =	sdelay $0x3  }
0x96: {  	_ =	strace s5  }
0x97: {  	s5 =	sld [smem:$0x3FFD];
	_ =	sdelay $0x3  }
0x98: {  	_ =	strace s5  }
0x99: {  	_ =	strace $0x8FFFFFFF  }
0x9a: {  	s19 =	sld [smem:$0x3FDB];
	_ =	sdelay $0x1  }
0x9b: {  	s6 =	simm.s32 $_scs_section_size  }
0x9c: {  	s7 =	simm.s32 $_size__tile_overlayer_lowered;
	s8 =	simm.s32 $_tile_overlayer_lowered  }
0x9d: {  	s22 =	simm.s32 $0x1BFF;
	s21 =	sshll.u32 s8, $0x1;
	s5 =	sadd.s32 s6, s19  }
0x9e: {  	s9 =	simm.s32 $0x0;
	s20 =	sshll.u32 s7, $0x1;
	s7 =	sadd.s32 s21, s5  }
0x9f: {  	[timem:s9], [sflag:s22] =	dma.local [hbm:s7], s20  }
0xa0: {  	_ =	swait.ge [sflag:s22], s20  }
0xa1: {  	s6 =	ssub.s32 $0x0, s20;
	[sflag:s22] =	ssyncset.done $0x0  }
0xa2: {  	[sflag:s22] =	ssyncadd.s32 s6;
	_ =	sdelay $0x1  }
0xa3: {  	s23 =	simm.s32 $0x1B8B  }
0xa4: {  	_ =	swait.ge [sflag:s23], $0x1  }
0xa5: {  	[sflag:s23] =	ssyncset.done $0x0  }
0xa6: {  	s25 =	simm.s32 $0x1B8E;
	s24 =	sld [smem:$0x3FFE];
	[sflag:s23] =	ssyncadd.s32 $0xFFFFFFFF  }
0xa7: {  	s26 =	simm.s32 $execute0_lowered;
	[smem:$0x3FD2] =	sst s25  }
0xa8: {  	s7 =	sshll.u32 s26, $0x1;
	_ =	strace $0x80000046;
	[dreg:$0x1] =	wrdreg $0xFFFFFFFF  }
0xa9: {  	s28 =	simm.s32 $_size_execute0_lowered;
	s5 =	sadd.s32 s5, s7;
	[dreg:$0x0] =	wrdreg $0x0  }
0xaa: {  	s7 =	sshll.u32 s28, $0x1;
	[dreg:$0x2] =	wrdreg s5  }
0xab: {  	[dreg:$0x3] =	wrdreg s7  }
0xac: {  	[dreg:$0x4] =	wrdreg $0xC0  }
0xad: {  	_ =	task [dreg:s9], $0x5FFFF  }
0xae: {  	[dreg:$0x1] =	wrdreg $0xFFFFFFFF  }
0xaf: {  	[dreg:$0x0] =	wrdreg $0x60  }
0xb0: {  	[dreg:$0x2] =	wrdreg s4  }
0xb1: {  	[dreg:$0x3] =	wrdreg s2  }
0xb2: {  	[dreg:$0x4] =	wrdreg s18  }
0xb3: {  	[dreg:$0x5] =	wrdreg s24  }
0xb4: {  	[dreg:$0x6] =	wrdreg $0xC3500  }
0xb5: {  	[dreg:$0x7] =	wrdreg $0x186A00  }
0xb6: {  	[dreg:$0x8] =	wrdreg $0x9  }
0xb7: {  	_ =	task.clear_ibuf [dreg:s9], $0x9FFFF;
	_ =	strace $0x90000046  }
0xb8: {  	s29 =	simm.s32 $0x9;
	_ =	strace $0x80000048  }
0xb9: {  	_ =	swait.ge [sflag:s29], $0x1  }
0xba: {  	[sflag:s29] =	ssyncadd.s32 $0xFFFFFFFF  }
0xbb: {  	_ =	strace $0x90000048  }
0xbc: {  	_ =	sfence  }
0xbd: {  	s30 =	sld [smem:$0x0];
	_ =	sdelay $0x2  }
0xbe: {  	s31 =	sshll.u32 s1, $0xD;
	s1 =	sshrl.u32 s1, $0x2  }
0xbf: {  	s3 =	sand.u32 $0x4000, s31;
	s1 =	sadd.s32 s1, s30  }
0xc0: {  	s0 =	sor.u32 s3, s0;
	s1 =	sshll.u32 s1, $0x11  }
0xc1: {  	s0 =	sor.u32 s1, s0  }
0xc2: {  	s0 =	sadd.s32 $0x8F2B, s0  }
0xc3: {  	[sflag:s0] =	ssyncadd.remote.s32 $0x1  }
0xc4: {  	_ =	sfence.sel $0xFFFF  }
0xc5: {  	[dreg:$0x0] =	wrdreg $0xFFFFFFFF;
	(pc) =	sbr.abs _section_cstart, $3  }
0xc6: {  	[dreg:$0x1] =	wrdreg $0xFFFFFFFF  }
0xc7: {  	_ =	task.clear_ibuf [dreg:s9], $0x2FFFF;
	_ =	strace $0x9FFFFFFF  }
0xc8: {  	(tm) =	ssettm $0x7FFFFFFF  }
0xc9: {  	_ =	shalt  }
tec
execute0_lowered:
.L_overlay_start_1:
0x0: {  	(tag) =	ssettag $0x1  }
0x1: {  	s0 =	rddreg [dreg:$0x0]  }
0x2: {  	s2 =	rddreg [dreg:$0x1]  }
0x3: {  	s3 =	rddreg [dreg:$0x2]  }
0x4: {  	s9 =	rddreg [dreg:$0x3]  }
0x5: {  	s4 =	rddreg [dreg:$0x4]  }
0x6: {  	s5 =	rddreg [dreg:$0x5];
	s1 =	stileid.u32  }
0x7: {  	s7 =	srdreg.scid;
	s6 =	simm.s32 $0x0;
	s11 =	smul.u32 $0xC350, s1  }
0x8: {  	s10 =	sand.u32 $0x1, s7;
	[smem:$0x7FF] =	sst s6;
	s16 =	smul.u32 $0x30D40, s1  }
0x9: {  	s7 =	sadd.s32 $0x1800, s9;
	s14 =	sadd.s32 $0xDD600, s9;
	s8 =	smul.u32 $0xC3500, s10  }
0xa: {  	_ =	strace $0x80000047;
	s19 =	smul.u32 $0x30D4, s10;
	[dreg:$0x16] =	wrdreg s14  }
0xb: {  	s20 =	smul.u32 $0x30D400, s10;
	s15 =	ssub.s32 $0x2, s10;
	s10 =	sshll.u32 s10, $0x4  }
0xc: {  	s12 =	sshrl.u32 s11, $0x3;
	s17 =	sor.u32 s1, s10;
	s8 =	sadd.s32 s11, s8  }
0xd: {  	s13 =	sadd.s32 s12, s9;
	s22 =	smul.u32 $0x30D40, s17;
	s11 =	sadd.s32 s11, s4  }
0xe: {  	s12 =	sadd.s32 s16, s20;
	[dreg:$0x17] =	wrdreg s11;
	s23 =	sadd.s32 $0xC4E00, s13  }
0xf: {  	s25 =	sshll.u32 s1, $0x6;
	s24 =	sadd.s32 $0x3E80, s12;
	[dreg:$0x18] =	wrdreg s23  }
0x10: {  	s14 =	sshrl.u32 s22, $0x3;
	s26 =	sshrl.u32 s24, $0x3;
	s24 =	sor.u32 $0x1C08, s25  }
0x11: {  	s8 =	sshrl.u32 s8, $0x3;
	s28 =	sadd.s32 s2, s14;
	[dreg:$0x19] =	wrdreg s24  }
0x12: {  	s16 =	sadd.s32 $0x4650, s12;
	s29 =	sadd.s32 s26, s7;
	[dreg:$0x1a] =	wrdreg s28  }
0x13: {  	s8 =	sadd.s32 s8, s9;
	s11 =	sadd.s32 s26, s3;
	[dreg:$0x7] =	wrdreg s29  }
0x14: {  	s9 =	sadd.s32 s19, s9;
	s19 =	sadd.s32 s3, s14;
	[dreg:$0x8] =	wrdreg s11  }
0x15: {  	s18 =	sshrl.u32 s16, $0x3;
	s17 =	sadd.s32 s26, s2;
	[dreg:$0x1b] =	wrdreg s19  }
0x16: {  	s21 =	sshrl.u32 s15, $0x1;
	s20 =	sadd.s32 s18, s7;
	[dreg:$0x9] =	wrdreg s17  }
0x17: {  	s10 =	ssub.s32 s15, s21;
	s21 =	sadd.s32 s18, s3;
	[dreg:$0xa] =	wrdreg s20  }
0x18: {  	s22 =	sadd.s32 $0x36B0, s12;
	s26 =	sadd.s32 s7, s14;
	[dreg:$0xb] =	wrdreg s21  }
0x19: {  	s23 =	sadd.s32 s18, s2;
	s25 =	sshrl.u32 s22, $0x3;
	[dreg:$0x1c] =	wrdreg s26  }
0x1a: {  	s30 =	simm.s32 $0x7D0;
	[dreg:$0xc] =	wrdreg s23;
	s28 =	sadd.s32 s25, s7  }
0x1b: {  	s31 =	simm.s32 $0xFA0;
	s29 =	sadd.s32 s25, s3;
	[dreg:$0xd] =	wrdreg s28  }
0x1c: {  	s16 =	sadd.s32 $0xFA, s14;
	s15 =	sadd.s32 s25, s2;
	[dreg:$0xe] =	wrdreg s29  }
0x1d: {  	p0 =	sne.s32 s1, $0x0;
	s23 =	sadd.s32 s2, s16;
	[dreg:$0xf] =	wrdreg s15  }
0x1e: {  	s11 =	sadd.s32 $0x2710, s12;
	s26 =	sadd.s32 s3, s16;
	[dreg:$0x1d] =	wrdreg s23  }
0x1f: {  	s17 =	sshrl.u32 s11, $0x3;
	[dreg:$0x1e] =	wrdreg s26;
	s26 =	sadd.s32 $0x111600, s9  }
0x20: {  	s13 =	simm.s32 $0x1;
	s18 =	sadd.s32 s17, s7;
	[smem:$0x7FB] =	sst s26  }
0x21: {  	s20 =	sadd.s32 $0x1F40, s12;
	s19 =	sadd.s32 s17, s3;
	[dreg:$0x10] =	wrdreg s18  }
0x22: {  	s22 =	sshrl.u32 s20, $0x3;
	s21 =	sadd.s32 s17, s2;
	[dreg:$0x11] =	wrdreg s19  }
0x23: {  	s29 =	sadd.s32 $0x1F4, s14;
	s25 =	sadd.s32 s22, s7;
	[dreg:$0x12] =	wrdreg s21  }
0x24: {  	s20 =	sadd.s32 $0x2EE, s14;
	s28 =	sadd.s32 s22, s3;
	[dreg:$0x13] =	wrdreg s25  }
0x25: {  	s9 =	simm.s32 $0x2710;
	s17 =	sadd.s32 s7, s16;
	[dreg:$0x14] =	wrdreg s28  }
0x26: {  	s14 =	simm.s32 $0x2EE0;
	s15 =	sadd.s32 s22, s2;
	[dreg:$0x1f] =	wrdreg s17  }
0x27: {  	s22 =	sadd.s32 s2, s20;
	s23 =	sadd.s32 s3, s20;
	[dreg:$0x15] =	wrdreg s15  }
0x28: {  	s1 =	sadd.s32 s7, s20;
	s26 =	simm.s32 $0x8;
	[smem:$0x7F7] =	sst s22  }
0x29: {  	s16 =	simm.s32 $0x3E80;
	s20 =	simm.s32 $0x3;
	[smem:$0x7F8] =	sst s23  }
0x2a: {  	s18 =	sadd.s32 s2, s29;
	s19 =	sadd.s32 s3, s29;
	[smem:$0x7F9] =	sst s1  }
0x2b: {  	s21 =	sadd.s32 s7, s29;
	s25 =	sadd.s32 $0xE0800, s8;
	[smem:$0x7F4] =	sst s18  }
0x2c: {  	s28 =	smax.u32 s10, $0x1;
	s29 =	sadd.s32 $0x2EE0, s12;
	[smem:$0x7F5] =	sst s19  }
0x2d: {  	s1 =	simm.s32 $0x1770;
	s8 =	simm.s32 $0x1F40;
	[smem:$0x7F6] =	sst s21  }
0x2e: {  	s10 =	simm.s32 $0x5;
	s12 =	simm.s32 $0x4650;
	[smem:$0x7FA] =	sst s25  }
0x2f: {  	s15 =	simm.s32 $0x36B0;
	s17 =	simm.s32 $0x6;
	[smem:$0x7FC] =	sst s28  }
0x30: {  	s22 =	simm.s32 $0x4;
	s23 =	simm.s32 $0x0;
	[smem:$0x7FD] =	sst s29  }
0x31: {  	s18 =	simm.s32 $0x84D0;
	s19 =	simm.s32 $0x2;
	s21 =	simm.s32 $0x7  }
.LBB2_1:
0x32: {  	s11 =	rddreg [dreg:$0x17]  }
0x33: {  	s29 =	rddreg [dreg:$0x18];
	s25 =	sshrl.u32 s11, $0x3  }
0x34: {  	[smem:$0x7F2] =	sst s25  }
0x35: {  	[spmem:s25], [sflag:s24] =	dma.local [hbm:s29], $0x186A  }
0x36: {  	_ =	swait.ge [sflag:s26], $0x186A  }
0x37: {  	s25 =	sshrl.u32 @!p0 s5, $0x3;
	[sflag:s26] =	ssyncset.done $0x0;
	s11 =	rddreg [dreg:$0x16]  }
0x38: {  	[smem:$0x7F3] =	sst s25;
	[sflag:s26] =	ssyncadd.s32 $0xFFFFE796;
	s26 =	simm.s32 @!p0 $0x8  }
0x39: {  	[spmem:s25], [sflag:s24] =	dma.local @!p0 [hbm:s11], $0x30D4  }
0x3a: {  	_ =	swait.ge @!p0 [sflag:s26], $0x30D4  }
0x3b: {  	[sflag:s26] =	ssyncset.done @!p0 $0x0  }
0x3c: {  	[sflag:s26] =	ssyncadd.s32 @!p0 $0xFFFFCF2C  }
0x3d: {  	[bflag:$0x0] =	sbarrier.arrive $0xFFFF  }
0x3e: {  	s29 =	rddreg [dreg:$0x1a]  }
0x3f: {  	[tilespmem:s6], [sflag:$0x5] =	stream.linear.gather [hbm4b:s29+s6], $0x7D0, $0x38;
	[tilespmem:$0x19F10] =	vst v63  }
0x40: {  	s24 =	rddreg [dreg:$0x1b]  }
0x41: {  	[tilespmem:s30], [sflag:$0x5] =	stream.linear.gather [hbm4b:s24+s6], $0x7D0, $0x38;
	[tilespmem:$0x19F10] =	vst v63  }
0x42: {  	s25 =	rddreg [dreg:$0x1c]  }
0x43: {  	[tilespmem:s31], [sflag:$0x5] =	stream.linear.gather [hbm4b:s25+s6], $0x7D0, $0x38;
	[tilespmem:$0x19F10] =	vst v63  }
0x44: {  	s26 =	rddreg [dreg:$0x1d]  }
0x45: {  	[tilespmem:s1], [sflag:$0x6] =	stream.linear.gather [hbm4b:s26+s6], $0x7D0, $0x38;
	[tilespmem:$0x19F10] =	vst v63  }
0x46: {  	s29 =	rddreg [dreg:$0x1e]  }
0x47: {  	[tilespmem:s8], [sflag:$0x6] =	stream.linear.gather [hbm4b:s29+s6], $0x7D0, $0x38;
	[tilespmem:$0x19F10] =	vst v63  }
0x48: {  	s24 =	rddreg [dreg:$0x1f]  }
0x49: {  	[tilespmem:s9], [sflag:$0x6] =	stream.linear.gather [hbm4b:s24+s6], $0x7D0, $0x38;
	[tilespmem:$0x19F10] =	vst v63  }
0x4a: {  	_ =	swait.ge [sflag:s10], $0x7D0  }
0x4b: {  	[sflag:s10] =	ssyncset.done $0x0  }
0x4c: {  	[sflag:s10] =	ssyncadd.s32 $0xFFFFF830  }
0x4d: {  	_ =	swait.ge [sflag:s10], $0x7D0  }
0x4e: {  	[sflag:s10] =	ssyncset.done $0x0  }
0x4f: {  	[sflag:s10] =	ssyncadd.s32 $0xFFFFF830  }
0x50: {  	_ =	swait.ge [sflag:s10], $0x7D0  }
0x51: {  	[sflag:s10] =	ssyncset.done $0x0  }
0x52: {  	[sflag:s10] =	ssyncadd.s32 $0xFFFFF830  }
0x53: {  	[tilespmem:s12], [sflag:$0x1] =	stream.indirect.gather [hbm4b:s0+s30], $0x8, s6, s30, $0xb8;
	[tilespmem:$0x19F10] =	vst v63  }
0x54: {  	_ =	swait.ge [sflag:s13], $0x3E80  }
0x55: {  	[sflag:s13] =	ssyncset.done $0x0  }
0x56: {  	[sflag:s13] =	ssyncadd.s32 $0xFFFFC180  }
0x57: {  	[spmem:s4] =	stream.indirect.scatter.add.f32 [tilespmem:s12], [sflag:$0x3], $0x8, s30, s30, $0xb8;
	[tilespmem:$0x19F10] =	vst v63  }
0x58: {  	s25 =	sld [smem:$0x7F4]  }
0x59: {  	[spmem:s5] =	stream.indirect.scatter.add.f32 [tilespmem:s31], [sflag:$0x3], $0x1, s30, s30, $0xb8;
	[tilespmem:$0x19F10] =	vst v63  }
0x5a: {  	s26 =	sld [smem:$0x7F5]  }
0x5b: {  	[tilespmem:s14], [sflag:$0x7] =	stream.linear.gather [hbm4b:s25+s6], $0x7D0, $0x38;
	[tilespmem:$0x19F10] =	vst v63  }
0x5c: {  	s29 =	sld [smem:$0x7F6]  }
0x5d: {  	[tilespmem:s15], [sflag:$0x7] =	stream.linear.gather [hbm4b:s26+s6], $0x7D0, $0x38;
	[tilespmem:$0x19F10] =	vst v63  }
0x5e: {  	_ = 	snop  }
0x5f: {  	[tilespmem:s16], [sflag:$0x7] =	stream.linear.gather [hbm4b:s29+s6], $0x7D0, $0x38;
	[tilespmem:$0x19F10] =	vst v63  }
0x60: {  	_ =	swait.ge [sflag:s17], $0x7D0  }
0x61: {  	[sflag:s17] =	ssyncset.done $0x0  }
0x62: {  	[sflag:s17] =	ssyncadd.s32 $0xFFFFF830  }
0x63: {  	_ =	swait.ge [sflag:s17], $0x7D0  }
0x64: {  	[sflag:s17] =	ssyncset.done $0x0  }
0x65: {  	[sflag:s17] =	ssyncadd.s32 $0xFFFFF830  }
0x66: {  	_ =	swait.ge [sflag:s17], $0x7D0  }
0x67: {  	[sflag:s17] =	ssyncset.done $0x0  }
0x68: {  	[sflag:s17] =	ssyncadd.s32 $0xFFFFF830  }
0x69: {  	[tilespmem:s18], [sflag:$0x2] =	stream.indirect.gather [hbm4b:s0+s30], $0x8, s1, s30, $0xb8;
	[tilespmem:$0x19F10] =	vst v63  }
0x6a: {  	_ =	swait.ge [sflag:s19], $0x3E80  }
0x6b: {  	[sflag:s19] =	ssyncset.done $0x0  }
0x6c: {  	[sflag:s19] =	ssyncadd.s32 $0xFFFFC180  }
0x6d: {  	[spmem:s4] =	stream.indirect.scatter.add.f32 [tilespmem:s18], [sflag:$0x4], $0x8, s8, s30, $0xb8;
	[tilespmem:$0x19F10] =	vst v63  }
0x6e: {  	_ = 	snop  }
0x6f: {  	[spmem:s5] =	stream.indirect.scatter.add.f32 [tilespmem:s9], [sflag:$0x4], $0x1, s8, s30, $0xb8;
	[tilespmem:$0x19F10] =	vst v63  }
0x70: {  	_ =	swait.ge [sflag:s20], $0x3E80  }
0x71: {  	[sflag:s20] =	ssyncset.done $0x0  }
0x72: {  	[sflag:s20] =	ssyncadd.s32 $0xFFFFC180  }
0x73: {  	_ =	swait.ge [sflag:s20], $0x7D0  }
0x74: {  	s24 =	sld [smem:$0x7F7]  }
0x75: {  	[sflag:s20] =	ssyncset.done $0x0  }
0x76: {  	s25 =	sld [smem:$0x7F8];
	[sflag:s20] =	ssyncadd.s32 $0xFFFFF830  }
0x77: {  	[tilespmem:s6], [sflag:$0x5] =	stream.linear.gather [hbm4b:s24+s6], $0x7D0, $0x38;
	[tilespmem:$0x19F10] =	vst v63  }
0x78: {  	s26 =	sld [smem:$0x7F9]  }
0x79: {  	[tilespmem:s30], [sflag:$0x5] =	stream.linear.gather [hbm4b:s25+s6], $0x7D0, $0x38;
	[tilespmem:$0x19F10] =	vst v63  }
0x7a: {  	_ = 	snop  }
0x7b: {  	[tilespmem:s31], [sflag:$0x5] =	stream.linear.gather [hbm4b:s26+s6], $0x7D0, $0x38;
	[tilespmem:$0x19F10] =	vst v63  }
0x7c: {  	_ =	swait.ge [sflag:s21], $0x7D0  }
0x7d: {  	[sflag:s21] =	ssyncset.done $0x0  }
0x7e: {  	[sflag:s21] =	ssyncadd.s32 $0xFFFFF830  }
0x7f: {  	_ =	swait.ge [sflag:s21], $0x7D0  }
0x80: {  	[sflag:s21] =	ssyncset.done $0x0  }
0x81: {  	[sflag:s21] =	ssyncadd.s32 $0xFFFFF830  }
0x82: {  	_ =	swait.ge [sflag:s21], $0x7D0  }
0x83: {  	[sflag:s21] =	ssyncset.done $0x0  }
0x84: {  	[sflag:s21] =	ssyncadd.s32 $0xFFFFF830  }
0x85: {  	[tilespmem:s12], [sflag:$0x1] =	stream.indirect.gather [hbm4b:s0+s30], $0x8, s14, s30, $0xb8;
	[tilespmem:$0x19F10] =	vst v63  }
0x86: {  	_ =	swait.ge [sflag:s13], $0x3E80  }
0x87: {  	[sflag:s13] =	ssyncset.done $0x0  }
0x88: {  	[sflag:s13] =	ssyncadd.s32 $0xFFFFC180  }
0x89: {  	[spmem:s4] =	stream.indirect.scatter.add.f32 [tilespmem:s12], [sflag:$0x3], $0x8, s15, s30, $0xb8;
	[tilespmem:$0x19F10] =	vst v63  }
0x8a: {  	_ = 	snop  }
0x8b: {  	[spmem:s5] =	stream.indirect.scatter.add.f32 [tilespmem:s16], [sflag:$0x3], $0x1, s15, s30, $0xb8;
	[tilespmem:$0x19F10] =	vst v63  }
0x8c: {  	_ =	swait.ge [sflag:s22], $0x3E80  }
0x8d: {  	[sflag:s22] =	ssyncset.done $0x0  }
0x8e: {  	[sflag:s22] =	ssyncadd.s32 $0xFFFFC180  }
0x8f: {  	_ =	swait.ge [sflag:s22], $0x7D0  }
0x90: {  	s29 =	rddreg [dreg:$0x15];
	[sflag:s22] =	ssyncset.done $0x0  }
0x91: {  	s28 =	rddreg [dreg:$0x14];
	[sflag:s22] =	ssyncadd.s32 $0xFFFFF830;
	s26 =	sadd.s32 $0x0, s29  }
0x92: {  	[tilespmem:s1], [sflag:$0x6] =	stream.linear.gather [hbm4b:s26+s6], $0x7D0, $0x38;
	[tilespmem:$0x19F10] =	vst v63  }
0x93: {  	s11 =	rddreg [dreg:$0x13];
	s28 =	sadd.s32 $0x0, s28  }
0x94: {  	[tilespmem:s8], [sflag:$0x6] =	stream.linear.gather [hbm4b:s28+s6], $0x7D0, $0x38;
	[tilespmem:$0x19F10] =	vst v63  }
0x95: {  	s26 =	sadd.s32 $0x0, s11  }
0x96: {  	[tilespmem:s9], [sflag:$0x6] =	stream.linear.gather [hbm4b:s26+s6], $0x7D0, $0x38;
	[tilespmem:$0x19F10] =	vst v63  }
0x97: {  	_ =	swait.ge [sflag:s10], $0x7D0  }
0x98: {  	[sflag:s10] =	ssyncset.done $0x0  }
0x99: {  	[sflag:s10] =	ssyncadd.s32 $0xFFFFF830  }
0x9a: {  	_ =	swait.ge [sflag:s10], $0x7D0  }
0x9b: {  	[sflag:s10] =	ssyncset.done $0x0  }
0x9c: {  	[sflag:s10] =	ssyncadd.s32 $0xFFFFF830  }
0x9d: {  	_ =	swait.ge [sflag:s10], $0x7D0  }
0x9e: {  	[sflag:s10] =	ssyncset.done $0x0  }
0x9f: {  	[sflag:s10] =	ssyncadd.s32 $0xFFFFF830  }
0xa0: {  	[tilespmem:s18], [sflag:$0x2] =	stream.indirect.gather [hbm4b:s0+s30], $0x8, s6, s30, $0xb8;
	[tilespmem:$0x19F10] =	vst v63  }
0xa1: {  	_ =	swait.ge [sflag:s19], $0x3E80  }
0xa2: {  	[sflag:s19] =	ssyncset.done $0x0  }
0xa3: {  	[sflag:s19] =	ssyncadd.s32 $0xFFFFC180  }
0xa4: {  	[spmem:s4] =	stream.indirect.scatter.add.f32 [tilespmem:s18], [sflag:$0x4], $0x8, s30, s30, $0xb8;
	[tilespmem:$0x19F10] =	vst v63  }
0xa5: {  	_ = 	snop  }
0xa6: {  	[spmem:s5] =	stream.indirect.scatter.add.f32 [tilespmem:s31], [sflag:$0x4], $0x1, s30, s30, $0xb8;
	[tilespmem:$0x19F10] =	vst v63  }
0xa7: {  	_ =	swait.ge [sflag:s20], $0x3E80  }
0xa8: {  	[sflag:s20] =	ssyncset.done $0x0  }
0xa9: {  	[sflag:s20] =	ssyncadd.s32 $0xFFFFC180  }
0xaa: {  	_ =	swait.ge [sflag:s20], $0x7D0  }
0xab: {  	s24 =	rddreg [dreg:$0x12];
	[sflag:s20] =	ssyncset.done $0x0  }
0xac: {  	s28 =	rddreg [dreg:$0x11];
	[sflag:s20] =	ssyncadd.s32 $0xFFFFF830;
	s26 =	sadd.s32 $0x0, s24  }
0xad: {  	[tilespmem:s14], [sflag:$0x7] =	stream.linear.gather [hbm4b:s26+s6], $0x7D0, $0x38;
	[tilespmem:$0x19F10] =	vst v63  }
0xae: {  	s25 =	rddreg [dreg:$0x10];
	s28 =	sadd.s32 $0x0, s28  }
0xaf: {  	[tilespmem:s15], [sflag:$0x7] =	stream.linear.gather [hbm4b:s28+s6], $0x7D0, $0x38;
	[tilespmem:$0x19F10] =	vst v63  }
0xb0: {  	s26 =	sadd.s32 $0x0, s25  }
0xb1: {  	[tilespmem:s16], [sflag:$0x7] =	stream.linear.gather [hbm4b:s26+s6], $0x7D0, $0x38;
	[tilespmem:$0x19F10] =	vst v63  }
0xb2: {  	_ =	swait.ge [sflag:s17], $0x7D0  }
0xb3: {  	[sflag:s17] =	ssyncset.done $0x0  }
0xb4: {  	[sflag:s17] =	ssyncadd.s32 $0xFFFFF830  }
0xb5: {  	_ =	swait.ge [sflag:s17], $0x7D0  }
0xb6: {  	[sflag:s17] =	ssyncset.done $0x0  }
0xb7: {  	[sflag:s17] =	ssyncadd.s32 $0xFFFFF830  }
0xb8: {  	_ =	swait.ge [sflag:s17], $0x7D0  }
0xb9: {  	[sflag:s17] =	ssyncset.done $0x0  }
0xba: {  	[sflag:s17] =	ssyncadd.s32 $0xFFFFF830  }
0xbb: {  	[tilespmem:s12], [sflag:$0x1] =	stream.indirect.gather [hbm4b:s0+s30], $0x8, s1, s30, $0xb8;
	[tilespmem:$0x19F10] =	vst v63  }
0xbc: {  	_ =	swait.ge [sflag:s13], $0x3E80  }
0xbd: {  	[sflag:s13] =	ssyncset.done $0x0  }
0xbe: {  	[sflag:s13] =	ssyncadd.s32 $0xFFFFC180  }
0xbf: {  	[spmem:s4] =	stream.indirect.scatter.add.f32 [tilespmem:s12], [sflag:$0x3], $0x8, s8, s30, $0xb8;
	[tilespmem:$0x19F10] =	vst v63  }
0xc0: {  	_ = 	snop  }
0xc1: {  	[spmem:s5] =	stream.indirect.scatter.add.f32 [tilespmem:s9], [sflag:$0x3], $0x1, s8, s30, $0xb8;
	[tilespmem:$0x19F10] =	vst v63  }
0xc2: {  	_ =	swait.ge [sflag:s22], $0x3E80  }
0xc3: {  	[sflag:s22] =	ssyncset.done $0x0  }
0xc4: {  	[sflag:s22] =	ssyncadd.s32 $0xFFFFC180  }
0xc5: {  	_ =	swait.ge [sflag:s22], $0x7D0  }
0xc6: {  	s11 =	sld [smem:$0x7FD];
	_ =	sdelay $0x2  }
0xc7: {  	[sflag:s22] =	ssyncset.done $0x0;
	s29 =	sshrl.u32 s11, $0x3  }
0xc8: {  	[sflag:s22] =	ssyncadd.s32 $0xFFFFF830;
	s28 =	sadd.s32 s2, s29  }
0xc9: {  	[tilespmem:s6], [sflag:$0x5] =	stream.linear.gather [hbm4b:s28+s6], $0x7D0, $0x38;
	[tilespmem:$0x19F10] =	vst v63  }
0xca: {  	s28 =	sadd.s32 s3, s29  }
0xcb: {  	[tilespmem:s30], [sflag:$0x5] =	stream.linear.gather [hbm4b:s28+s6], $0x7D0, $0x38;
	[tilespmem:$0x19F10] =	vst v63  }
0xcc: {  	s26 =	sadd.s32 s7, s29  }
0xcd: {  	[tilespmem:s31], [sflag:$0x5] =	stream.linear.gather [hbm4b:s26+s6], $0x7D0, $0x38;
	[tilespmem:$0x19F10] =	vst v63  }
0xce: {  	_ =	swait.ge [sflag:s21], $0x7D0  }
0xcf: {  	[sflag:s21] =	ssyncset.done $0x0  }
0xd0: {  	[sflag:s21] =	ssyncadd.s32 $0xFFFFF830  }
0xd1: {  	_ =	swait.ge [sflag:s21], $0x7D0  }
0xd2: {  	[sflag:s21] =	ssyncset.done $0x0  }
0xd3: {  	[sflag:s21] =	ssyncadd.s32 $0xFFFFF830  }
0xd4: {  	_ =	swait.ge [sflag:s21], $0x7D0  }
0xd5: {  	[sflag:s21] =	ssyncset.done $0x0  }
0xd6: {  	[sflag:s21] =	ssyncadd.s32 $0xFFFFF830  }
0xd7: {  	[tilespmem:s18], [sflag:$0x2] =	stream.indirect.gather [hbm4b:s0+s30], $0x8, s14, s30, $0xb8;
	[tilespmem:$0x19F10] =	vst v63  }
0xd8: {  	_ =	swait.ge [sflag:s19], $0x3E80  }
0xd9: {  	[sflag:s19] =	ssyncset.done $0x0  }
0xda: {  	[sflag:s19] =	ssyncadd.s32 $0xFFFFC180  }
0xdb: {  	[spmem:s4] =	stream.indirect.scatter.add.f32 [tilespmem:s18], [sflag:$0x4], $0x8, s15, s30, $0xb8;
	[tilespmem:$0x19F10] =	vst v63  }
0xdc: {  	_ = 	snop  }
0xdd: {  	[spmem:s5] =	stream.indirect.scatter.add.f32 [tilespmem:s16], [sflag:$0x4], $0x1, s15, s30, $0xb8;
	[tilespmem:$0x19F10] =	vst v63  }
0xde: {  	_ =	swait.ge [sflag:s20], $0x3E80  }
0xdf: {  	[sflag:s20] =	ssyncset.done $0x0  }
0xe0: {  	[sflag:s20] =	ssyncadd.s32 $0xFFFFC180  }
0xe1: {  	_ =	swait.ge [sflag:s20], $0x7D0  }
0xe2: {  	s24 =	rddreg [dreg:$0xf];
	[sflag:s20] =	ssyncset.done $0x0  }
0xe3: {  	s28 =	rddreg [dreg:$0xe];
	[sflag:s20] =	ssyncadd.s32 $0xFFFFF830;
	s26 =	sadd.s32 $0x0, s24  }
0xe4: {  	[tilespmem:s1], [sflag:$0x6] =	stream.linear.gather [hbm4b:s26+s6], $0x7D0, $0x38;
	[tilespmem:$0x19F10] =	vst v63  }
0xe5: {  	s25 =	rddreg [dreg:$0xd];
	s28 =	sadd.s32 $0x0, s28  }
0xe6: {  	[tilespmem:s8], [sflag:$0x6] =	stream.linear.gather [hbm4b:s28+s6], $0x7D0, $0x38;
	[tilespmem:$0x19F10] =	vst v63  }
0xe7: {  	s26 =	sadd.s32 $0x0, s25  }
0xe8: {  	[tilespmem:s9], [sflag:$0x6] =	stream.linear.gather [hbm4b:s26+s6], $0x7D0, $0x38;
	[tilespmem:$0x19F10] =	vst v63  }
0xe9: {  	_ =	swait.ge [sflag:s10], $0x7D0  }
0xea: {  	[sflag:s10] =	ssyncset.done $0x0  }
0xeb: {  	[sflag:s10] =	ssyncadd.s32 $0xFFFFF830  }
0xec: {  	_ =	swait.ge [sflag:s10], $0x7D0  }
0xed: {  	[sflag:s10] =	ssyncset.done $0x0  }
0xee: {  	[sflag:s10] =	ssyncadd.s32 $0xFFFFF830  }
0xef: {  	_ =	swait.ge [sflag:s10], $0x7D0  }
0xf0: {  	[sflag:s10] =	ssyncset.done $0x0  }
0xf1: {  	[sflag:s10] =	ssyncadd.s32 $0xFFFFF830  }
0xf2: {  	[tilespmem:s12], [sflag:$0x1] =	stream.indirect.gather [hbm4b:s0+s30], $0x8, s6, s30, $0xb8;
	[tilespmem:$0x19F10] =	vst v63  }
0xf3: {  	_ =	swait.ge [sflag:s13], $0x3E80  }
0xf4: {  	[sflag:s13] =	ssyncset.done $0x0  }
0xf5: {  	[sflag:s13] =	ssyncadd.s32 $0xFFFFC180  }
0xf6: {  	[spmem:s4] =	stream.indirect.scatter.add.f32 [tilespmem:s12], [sflag:$0x3], $0x8, s30, s30, $0xb8;
	[tilespmem:$0x19F10] =	vst v63  }
0xf7: {  	_ = 	snop  }
0xf8: {  	[spmem:s5] =	stream.indirect.scatter.add.f32 [tilespmem:s31], [sflag:$0x3], $0x1, s30, s30, $0xb8;
	[tilespmem:$0x19F10] =	vst v63  }
0xf9: {  	_ =	swait.ge [sflag:s22], $0x3E80  }
0xfa: {  	[sflag:s22] =	ssyncset.done $0x0  }
0xfb: {  	[sflag:s22] =	ssyncadd.s32 $0xFFFFC180  }
0xfc: {  	_ =	swait.ge [sflag:s22], $0x7D0  }
0xfd: {  	s29 =	rddreg [dreg:$0x9];
	[sflag:s22] =	ssyncset.done $0x0  }
0xfe: {  	s28 =	rddreg [dreg:$0x8];
	[sflag:s22] =	ssyncadd.s32 $0xFFFFF830;
	s26 =	sadd.s32 $0x0, s29  }
0xff: {  	[tilespmem:s14], [sflag:$0x7] =	stream.linear.gather [hbm4b:s26+s6], $0x7D0, $0x38;
	[tilespmem:$0x19F10] =	vst v63  }
0x100: {  	s24 =	rddreg [dreg:$0x7];
	s28 =	sadd.s32 $0x0, s28  }
0x101: {  	[tilespmem:s15], [sflag:$0x7] =	stream.linear.gather [hbm4b:s28+s6], $0x7D0, $0x38;
	[tilespmem:$0x19F10] =	vst v63  }
0x102: {  	s26 =	sadd.s32 $0x0, s24  }
0x103: {  	[tilespmem:s16], [sflag:$0x7] =	stream.linear.gather [hbm4b:s26+s6], $0x7D0, $0x38;
	[tilespmem:$0x19F10] =	vst v63  }
0x104: {  	_ =	swait.ge [sflag:s17], $0x7D0  }
0x105: {  	[sflag:s17] =	ssyncset.done $0x0  }
0x106: {  	[sflag:s17] =	ssyncadd.s32 $0xFFFFF830  }
0x107: {  	_ =	swait.ge [sflag:s17], $0x7D0  }
0x108: {  	[sflag:s17] =	ssyncset.done $0x0  }
0x109: {  	[sflag:s17] =	ssyncadd.s32 $0xFFFFF830  }
0x10a: {  	_ =	swait.ge [sflag:s17], $0x7D0  }
0x10b: {  	[sflag:s17] =	ssyncset.done $0x0  }
0x10c: {  	[sflag:s17] =	ssyncadd.s32 $0xFFFFF830  }
0x10d: {  	[tilespmem:s18], [sflag:$0x2] =	stream.indirect.gather [hbm4b:s0+s30], $0x8, s1, s30, $0xb8;
	[tilespmem:$0x19F10] =	vst v63  }
0x10e: {  	_ =	swait.ge [sflag:s19], $0x3E80  }
0x10f: {  	[sflag:s19] =	ssyncset.done $0x0  }
0x110: {  	[sflag:s19] =	ssyncadd.s32 $0xFFFFC180  }
0x111: {  	[spmem:s4] =	stream.indirect.scatter.add.f32 [tilespmem:s18], [sflag:$0x4], $0x8, s8, s30, $0xb8;
	[tilespmem:$0x19F10] =	vst v63  }
0x112: {  	_ = 	snop  }
0x113: {  	[spmem:s5] =	stream.indirect.scatter.add.f32 [tilespmem:s9], [sflag:$0x4], $0x1, s8, s30, $0xb8;
	[tilespmem:$0x19F10] =	vst v63  }
0x114: {  	_ =	swait.ge [sflag:s20], $0x3E80  }
0x115: {  	[sflag:s20] =	ssyncset.done $0x0  }
0x116: {  	[sflag:s20] =	ssyncadd.s32 $0xFFFFC180  }
0x117: {  	_ =	swait.ge [sflag:s20], $0x7D0  }
0x118: {  	s25 =	rddreg [dreg:$0xc];
	[sflag:s20] =	ssyncset.done $0x0  }
0x119: {  	s28 =	rddreg [dreg:$0xb];
	[sflag:s20] =	ssyncadd.s32 $0xFFFFF830;
	s26 =	sadd.s32 $0x0, s25  }
0x11a: {  	[tilespmem:s6], [sflag:$0x5] =	stream.linear.gather [hbm4b:s26+s6], $0x7D0, $0x38;
	[tilespmem:$0x19F10] =	vst v63  }
0x11b: {  	s29 =	rddreg [dreg:$0xa];
	s28 =	sadd.s32 $0x0, s28  }
0x11c: {  	[tilespmem:s30], [sflag:$0x5] =	stream.linear.gather [hbm4b:s28+s6], $0x7D0, $0x38;
	[tilespmem:$0x19F10] =	vst v63  }
0x11d: {  	s26 =	sadd.s32 $0x0, s29  }
0x11e: {  	[tilespmem:s31], [sflag:$0x5] =	stream.linear.gather [hbm4b:s26+s6], $0x7D0, $0x38;
	[tilespmem:$0x19F10] =	vst v63  }
0x11f: {  	_ =	swait.ge [sflag:s21], $0x7D0  }
0x120: {  	[sflag:s21] =	ssyncset.done $0x0  }
0x121: {  	[sflag:s21] =	ssyncadd.s32 $0xFFFFF830  }
0x122: {  	_ =	swait.ge [sflag:s21], $0x7D0  }
0x123: {  	[sflag:s21] =	ssyncset.done $0x0  }
0x124: {  	[sflag:s21] =	ssyncadd.s32 $0xFFFFF830  }
0x125: {  	_ =	swait.ge [sflag:s21], $0x7D0  }
0x126: {  	[sflag:s21] =	ssyncset.done $0x0  }
0x127: {  	s28 =	sadd.s32 $0x2EE0, s11;
	s26 =	simm.s32 $0x5DC;
	[sflag:s21] =	ssyncadd.s32 $0xFFFFF830  }
.LBB2_2:
0x128: {  	[tilespmem:s12], [sflag:$0x1] =	stream.indirect.gather [hbm4b:s0+s30], $0x8, s14, s30, $0xb8;
	[tilespmem:$0x19F10] =	vst v63  }
0x129: {  	_ =	swait.ge [sflag:s13], $0x3E80  }
0x12a: {  	[sflag:s13] =	ssyncset.done $0x0  }
0x12b: {  	[sflag:s13] =	ssyncadd.s32 $0xFFFFC180  }
0x12c: {  	[spmem:s4] =	stream.indirect.scatter.add.f32 [tilespmem:s12], [sflag:$0x3], $0x8, s15, s30, $0xb8;
	[tilespmem:$0x19F10] =	vst v63  }
0x12d: {  	_ = 	snop  }
0x12e: {  	[spmem:s5] =	stream.indirect.scatter.add.f32 [tilespmem:s16], [sflag:$0x3], $0x1, s15, s30, $0xb8;
	[tilespmem:$0x19F10] =	vst v63  }
0x12f: {  	_ =	swait.ge [sflag:s22], $0x3E80  }
0x130: {  	[sflag:s22] =	ssyncset.done $0x0  }
0x131: {  	[sflag:s22] =	ssyncadd.s32 $0xFFFFC180  }
0x132: {  	_ =	swait.ge [sflag:s22], $0x7D0  }
0x133: {  	s29 =	smov.u32 s26;
	s24 =	rddreg [dreg:$0x15];
	[sflag:s22] =	ssyncset.done $0x0  }
0x134: {  	s25 =	rddreg [dreg:$0x14];
	[sflag:s22] =	ssyncadd.s32 $0xFFFFF830;
	s24 =	sadd.s32 s29, s24  }
0x135: {  	[tilespmem:s1], [sflag:$0x6] =	stream.linear.gather [hbm4b:s24+s6], $0x7D0, $0x38;
	[tilespmem:$0x19F10] =	vst v63  }
0x136: {  	s11 =	rddreg [dreg:$0x13];
	s25 =	sadd.s32 s29, s25  }
0x137: {  	[tilespmem:s8], [sflag:$0x6] =	stream.linear.gather [hbm4b:s25+s6], $0x7D0, $0x38;
	[tilespmem:$0x19F10] =	vst v63  }
0x138: {  	s11 =	sadd.s32 s29, s11  }
0x139: {  	[tilespmem:s9], [sflag:$0x6] =	stream.linear.gather [hbm4b:s11+s6], $0x7D0, $0x38;
	[tilespmem:$0x19F10] =	vst v63  }
0x13a: {  	_ =	swait.ge [sflag:s10], $0x7D0  }
0x13b: {  	[sflag:s10] =	ssyncset.done $0x0  }
0x13c: {  	[sflag:s10] =	ssyncadd.s32 $0xFFFFF830  }
0x13d: {  	_ =	swait.ge [sflag:s10], $0x7D0  }
0x13e: {  	[sflag:s10] =	ssyncset.done $0x0  }
0x13f: {  	[sflag:s10] =	ssyncadd.s32 $0xFFFFF830  }
0x140: {  	_ =	swait.ge [sflag:s10], $0x7D0  }
0x141: {  	[sflag:s10] =	ssyncset.done $0x0  }
0x142: {  	[sflag:s10] =	ssyncadd.s32 $0xFFFFF830  }
0x143: {  	[tilespmem:s18], [sflag:$0x2] =	stream.indirect.gather [hbm4b:s0+s30], $0x8, s6, s30, $0xb8;
	[tilespmem:$0x19F10] =	vst v63  }
0x144: {  	_ =	swait.ge [sflag:s19], $0x3E80  }
0x145: {  	[sflag:s19] =	ssyncset.done $0x0  }
0x146: {  	[sflag:s19] =	ssyncadd.s32 $0xFFFFC180  }
0x147: {  	[spmem:s4] =	stream.indirect.scatter.add.f32 [tilespmem:s18], [sflag:$0x4], $0x8, s30, s30, $0xb8;
	[tilespmem:$0x19F10] =	vst v63  }
0x148: {  	_ = 	snop  }
0x149: {  	[spmem:s5] =	stream.indirect.scatter.add.f32 [tilespmem:s31], [sflag:$0x4], $0x1, s30, s30, $0xb8;
	[tilespmem:$0x19F10] =	vst v63  }
0x14a: {  	_ =	swait.ge [sflag:s20], $0x3E80  }
0x14b: {  	[sflag:s20] =	ssyncset.done $0x0  }
0x14c: {  	[sflag:s20] =	ssyncadd.s32 $0xFFFFC180  }
0x14d: {  	_ =	swait.ge [sflag:s20], $0x7D0  }
0x14e: {  	s25 =	rddreg [dreg:$0x12];
	[sflag:s20] =	ssyncset.done $0x0  }
0x14f: {  	s24 =	rddreg [dreg:$0x11];
	[sflag:s20] =	ssyncadd.s32 $0xFFFFF830;
	s11 =	sadd.s32 s29, s25  }
0x150: {  	[tilespmem:s14], [sflag:$0x7] =	stream.linear.gather [hbm4b:s11+s6], $0x7D0, $0x38;
	[tilespmem:$0x19F10] =	vst v63  }
0x151: {  	s25 =	rddreg [dreg:$0x10];
	s24 =	sadd.s32 s29, s24  }
0x152: {  	[tilespmem:s15], [sflag:$0x7] =	stream.linear.gather [hbm4b:s24+s6], $0x7D0, $0x38;
	[tilespmem:$0x19F10] =	vst v63  }
0x153: {  	s24 =	sadd.s32 s29, s25  }
0x154: {  	[tilespmem:s16], [sflag:$0x7] =	stream.linear.gather [hbm4b:s24+s6], $0x7D0, $0x38;
	[tilespmem:$0x19F10] =	vst v63  }
0x155: {  	_ =	swait.ge [sflag:s17], $0x7D0  }
0x156: {  	[sflag:s17] =	ssyncset.done $0x0  }
0x157: {  	[sflag:s17] =	ssyncadd.s32 $0xFFFFF830  }
0x158: {  	_ =	swait.ge [sflag:s17], $0x7D0  }
0x159: {  	[sflag:s17] =	ssyncset.done $0x0  }
0x15a: {  	[sflag:s17] =	ssyncadd.s32 $0xFFFFF830  }
0x15b: {  	_ =	swait.ge [sflag:s17], $0x7D0  }
0x15c: {  	[sflag:s17] =	ssyncset.done $0x0  }
0x15d: {  	[sflag:s17] =	ssyncadd.s32 $0xFFFFF830  }
0x15e: {  	[tilespmem:s12], [sflag:$0x1] =	stream.indirect.gather [hbm4b:s0+s30], $0x8, s1, s30, $0xb8;
	[tilespmem:$0x19F10] =	vst v63  }
0x15f: {  	_ =	swait.ge [sflag:s13], $0x3E80  }
0x160: {  	[sflag:s13] =	ssyncset.done $0x0  }
0x161: {  	[sflag:s13] =	ssyncadd.s32 $0xFFFFC180  }
0x162: {  	[spmem:s4] =	stream.indirect.scatter.add.f32 [tilespmem:s12], [sflag:$0x3], $0x8, s8, s30, $0xb8;
	[tilespmem:$0x19F10] =	vst v63  }
0x163: {  	_ = 	snop  }
0x164: {  	[spmem:s5] =	stream.indirect.scatter.add.f32 [tilespmem:s9], [sflag:$0x3], $0x1, s8, s30, $0xb8;
	[tilespmem:$0x19F10] =	vst v63  }
0x165: {  	_ =	swait.ge [sflag:s22], $0x3E80  }
0x166: {  	[sflag:s22] =	ssyncset.done $0x0  }
0x167: {  	[sflag:s22] =	ssyncadd.s32 $0xFFFFC180  }
0x168: {  	_ =	swait.ge [sflag:s22], $0x7D0  }
0x169: {  	s11 =	sshrl.u32 s28, $0x3;
	[sflag:s22] =	ssyncset.done $0x0  }
0x16a: {  	s25 =	sadd.s32 s2, s11;
	[sflag:s22] =	ssyncadd.s32 $0xFFFFF830  }
0x16b: {  	[tilespmem:s6], [sflag:$0x5] =	stream.linear.gather [hbm4b:s25+s6], $0x7D0, $0x38;
	[tilespmem:$0x19F10] =	vst v63  }
0x16c: {  	s25 =	sadd.s32 s3, s11  }
0x16d: {  	[tilespmem:s30], [sflag:$0x5] =	stream.linear.gather [hbm4b:s25+s6], $0x7D0, $0x38;
	[tilespmem:$0x19F10] =	vst v63  }
0x16e: {  	s11 =	sadd.s32 s7, s11  }
0x16f: {  	[tilespmem:s31], [sflag:$0x5] =	stream.linear.gather [hbm4b:s11+s6], $0x7D0, $0x38;
	[tilespmem:$0x19F10] =	vst v63  }
0x170: {  	_ =	swait.ge [sflag:s21], $0x7D0  }
0x171: {  	[sflag:s21] =	ssyncset.done $0x0  }
0x172: {  	[sflag:s21] =	ssyncadd.s32 $0xFFFFF830  }
0x173: {  	_ =	swait.ge [sflag:s21], $0x7D0  }
0x174: {  	[sflag:s21] =	ssyncset.done $0x0  }
0x175: {  	[sflag:s21] =	ssyncadd.s32 $0xFFFFF830  }
0x176: {  	_ =	swait.ge [sflag:s21], $0x7D0  }
0x177: {  	[sflag:s21] =	ssyncset.done $0x0  }
0x178: {  	[sflag:s21] =	ssyncadd.s32 $0xFFFFF830  }
0x179: {  	[tilespmem:s18], [sflag:$0x2] =	stream.indirect.gather [hbm4b:s0+s30], $0x8, s14, s30, $0xb8;
	[tilespmem:$0x19F10] =	vst v63  }
0x17a: {  	_ =	swait.ge [sflag:s19], $0x3E80  }
0x17b: {  	[sflag:s19] =	ssyncset.done $0x0  }
0x17c: {  	[sflag:s19] =	ssyncadd.s32 $0xFFFFC180  }
0x17d: {  	[spmem:s4] =	stream.indirect.scatter.add.f32 [tilespmem:s18], [sflag:$0x4], $0x8, s15, s30, $0xb8;
	[tilespmem:$0x19F10] =	vst v63  }
0x17e: {  	_ = 	snop  }
0x17f: {  	[spmem:s5] =	stream.indirect.scatter.add.f32 [tilespmem:s16], [sflag:$0x4], $0x1, s15, s30, $0xb8;
	[tilespmem:$0x19F10] =	vst v63  }
0x180: {  	_ =	swait.ge [sflag:s20], $0x3E80  }
0x181: {  	[sflag:s20] =	ssyncset.done $0x0  }
0x182: {  	[sflag:s20] =	ssyncadd.s32 $0xFFFFC180  }
0x183: {  	_ =	swait.ge [sflag:s20], $0x7D0  }
0x184: {  	s25 =	rddreg [dreg:$0xf];
	[sflag:s20] =	ssyncset.done $0x0  }
0x185: {  	s24 =	rddreg [dreg:$0xe];
	[sflag:s20] =	ssyncadd.s32 $0xFFFFF830;
	s11 =	sadd.s32 s29, s25  }
0x186: {  	[tilespmem:s1], [sflag:$0x6] =	stream.linear.gather [hbm4b:s11+s6], $0x7D0, $0x38;
	[tilespmem:$0x19F10] =	vst v63  }
0x187: {  	s25 =	rddreg [dreg:$0xd];
	s24 =	sadd.s32 s29, s24  }
0x188: {  	[tilespmem:s8], [sflag:$0x6] =	stream.linear.gather [hbm4b:s24+s6], $0x7D0, $0x38;
	[tilespmem:$0x19F10] =	vst v63  }
0x189: {  	s24 =	sadd.s32 s29, s25  }
0x18a: {  	[tilespmem:s9], [sflag:$0x6] =	stream.linear.gather [hbm4b:s24+s6], $0x7D0, $0x38;
	[tilespmem:$0x19F10] =	vst v63  }
0x18b: {  	_ =	swait.ge [sflag:s10], $0x7D0  }
0x18c: {  	[sflag:s10] =	ssyncset.done $0x0  }
0x18d: {  	[sflag:s10] =	ssyncadd.s32 $0xFFFFF830  }
0x18e: {  	_ =	swait.ge [sflag:s10], $0x7D0  }
0x18f: {  	[sflag:s10] =	ssyncset.done $0x0  }
0x190: {  	[sflag:s10] =	ssyncadd.s32 $0xFFFFF830  }
0x191: {  	_ =	swait.ge [sflag:s10], $0x7D0  }
0x192: {  	[sflag:s10] =	ssyncset.done $0x0  }
0x193: {  	[sflag:s10] =	ssyncadd.s32 $0xFFFFF830  }
0x194: {  	[tilespmem:s12], [sflag:$0x1] =	stream.indirect.gather [hbm4b:s0+s30], $0x8, s6, s30, $0xb8;
	[tilespmem:$0x19F10] =	vst v63  }
0x195: {  	_ =	swait.ge [sflag:s13], $0x3E80  }
0x196: {  	[sflag:s13] =	ssyncset.done $0x0  }
0x197: {  	[sflag:s13] =	ssyncadd.s32 $0xFFFFC180  }
0x198: {  	[spmem:s4] =	stream.indirect.scatter.add.f32 [tilespmem:s12], [sflag:$0x3], $0x8, s30, s30, $0xb8;
	[tilespmem:$0x19F10] =	vst v63  }
0x199: {  	_ = 	snop  }
0x19a: {  	[spmem:s5] =	stream.indirect.scatter.add.f32 [tilespmem:s31], [sflag:$0x3], $0x1, s30, s30, $0xb8;
	[tilespmem:$0x19F10] =	vst v63  }
0x19b: {  	_ =	swait.ge [sflag:s22], $0x3E80  }
0x19c: {  	[sflag:s22] =	ssyncset.done $0x0  }
0x19d: {  	[sflag:s22] =	ssyncadd.s32 $0xFFFFC180  }
0x19e: {  	_ =	swait.ge [sflag:s22], $0x7D0  }
0x19f: {  	s25 =	rddreg [dreg:$0x9];
	[sflag:s22] =	ssyncset.done $0x0  }
0x1a0: {  	s24 =	rddreg [dreg:$0x8];
	[sflag:s22] =	ssyncadd.s32 $0xFFFFF830;
	s11 =	sadd.s32 s29, s25  }
0x1a1: {  	[tilespmem:s14], [sflag:$0x7] =	stream.linear.gather [hbm4b:s11+s6], $0x7D0, $0x38;
	[tilespmem:$0x19F10] =	vst v63  }
0x1a2: {  	s25 =	rddreg [dreg:$0x7];
	s24 =	sadd.s32 s29, s24  }
0x1a3: {  	[tilespmem:s15], [sflag:$0x7] =	stream.linear.gather [hbm4b:s24+s6], $0x7D0, $0x38;
	[tilespmem:$0x19F10] =	vst v63  }
0x1a4: {  	s24 =	sadd.s32 s29, s25  }
0x1a5: {  	[tilespmem:s16], [sflag:$0x7] =	stream.linear.gather [hbm4b:s24+s6], $0x7D0, $0x38;
	[tilespmem:$0x19F10] =	vst v63  }
0x1a6: {  	_ =	swait.ge [sflag:s17], $0x7D0  }
0x1a7: {  	[sflag:s17] =	ssyncset.done $0x0  }
0x1a8: {  	[sflag:s17] =	ssyncadd.s32 $0xFFFFF830  }
0x1a9: {  	_ =	swait.ge [sflag:s17], $0x7D0  }
0x1aa: {  	[sflag:s17] =	ssyncset.done $0x0  }
0x1ab: {  	[sflag:s17] =	ssyncadd.s32 $0xFFFFF830  }
0x1ac: {  	_ =	swait.ge [sflag:s17], $0x7D0  }
0x1ad: {  	[sflag:s17] =	ssyncset.done $0x0  }
0x1ae: {  	[sflag:s17] =	ssyncadd.s32 $0xFFFFF830  }
0x1af: {  	[tilespmem:s18], [sflag:$0x2] =	stream.indirect.gather [hbm4b:s0+s30], $0x8, s1, s30, $0xb8;
	[tilespmem:$0x19F10] =	vst v63  }
0x1b0: {  	_ =	swait.ge [sflag:s19], $0x3E80  }
0x1b1: {  	[sflag:s19] =	ssyncset.done $0x0  }
0x1b2: {  	[sflag:s19] =	ssyncadd.s32 $0xFFFFC180  }
0x1b3: {  	[spmem:s4] =	stream.indirect.scatter.add.f32 [tilespmem:s18], [sflag:$0x4], $0x8, s8, s30, $0xb8;
	[tilespmem:$0x19F10] =	vst v63  }
0x1b4: {  	_ = 	snop  }
0x1b5: {  	[spmem:s5] =	stream.indirect.scatter.add.f32 [tilespmem:s9], [sflag:$0x4], $0x1, s8, s30, $0xb8;
	[tilespmem:$0x19F10] =	vst v63  }
0x1b6: {  	_ =	swait.ge [sflag:s20], $0x3E80  }
0x1b7: {  	[sflag:s20] =	ssyncset.done $0x0  }
0x1b8: {  	[sflag:s20] =	ssyncadd.s32 $0xFFFFC180  }
0x1b9: {  	_ =	swait.ge [sflag:s20], $0x7D0  }
0x1ba: {  	s25 =	rddreg [dreg:$0xc];
	[sflag:s20] =	ssyncset.done $0x0  }
0x1bb: {  	s24 =	rddreg [dreg:$0xb];
	[sflag:s20] =	ssyncadd.s32 $0xFFFFF830;
	s11 =	sadd.s32 s29, s25  }
0x1bc: {  	[tilespmem:s6], [sflag:$0x5] =	stream.linear.gather [hbm4b:s11+s6], $0x7D0, $0x38;
	[tilespmem:$0x19F10] =	vst v63  }
0x1bd: {  	s25 =	rddreg [dreg:$0xa];
	s24 =	sadd.s32 s29, s24  }
0x1be: {  	[tilespmem:s30], [sflag:$0x5] =	stream.linear.gather [hbm4b:s24+s6], $0x7D0, $0x38;
	[tilespmem:$0x19F10] =	vst v63  }
0x1bf: {  	s29 =	sadd.s32 s29, s25  }
0x1c0: {  	[tilespmem:s31], [sflag:$0x5] =	stream.linear.gather [hbm4b:s29+s6], $0x7D0, $0x38;
	[tilespmem:$0x19F10] =	vst v63  }
0x1c1: {  	_ =	swait.ge [sflag:s21], $0x7D0  }
0x1c2: {  	[sflag:s21] =	ssyncset.done $0x0  }
0x1c3: {  	[sflag:s21] =	ssyncadd.s32 $0xFFFFF830  }
0x1c4: {  	p1 =	sne.s32 s26, $0x57E4;
	_ =	swait.ge [sflag:s21], $0x7D0  }
.Ltmp0:
0x1c5: {  	[sflag:s21] =	ssyncset.done $0x0;
	(pc) =	sbr.rel @p1 .LBB2_2-.Ltmp0, $4  }
0x1c6: {  	[sflag:s21] =	ssyncadd.s32 $0xFFFFF830  }
0x1c7: {  	_ =	swait.ge [sflag:s21], $0x7D0  }
0x1c8: {  	[sflag:s21] =	ssyncset.done $0x0  }
0x1c9: {  	s26 =	sadd.s32 $0x5DC, s26;
	s28 =	sadd.s32 $0x2EE0, s28;
	[sflag:s21] =	ssyncadd.s32 $0xFFFFF830  }
0x1ca: {  	[tilespmem:s12], [sflag:$0x1] =	stream.indirect.gather [hbm4b:s0+s30], $0x8, s14, s30, $0xb8;
	[tilespmem:$0x19F10] =	vst v63  }
0x1cb: {  	_ =	swait.ge [sflag:s13], $0x3E80  }
0x1cc: {  	[sflag:s13] =	ssyncset.done $0x0  }
0x1cd: {  	[sflag:s13] =	ssyncadd.s32 $0xFFFFC180  }
0x1ce: {  	[spmem:s4] =	stream.indirect.scatter.add.f32 [tilespmem:s12], [sflag:$0x3], $0x8, s15, s30, $0xb8;
	[tilespmem:$0x19F10] =	vst v63  }
0x1cf: {  	_ = 	snop  }
0x1d0: {  	[spmem:s5] =	stream.indirect.scatter.add.f32 [tilespmem:s16], [sflag:$0x3], $0x1, s15, s30, $0xb8;
	[tilespmem:$0x19F10] =	vst v63  }
0x1d1: {  	_ =	swait.ge [sflag:s22], $0x3E80  }
0x1d2: {  	[sflag:s22] =	ssyncset.done $0x0  }
0x1d3: {  	[sflag:s22] =	ssyncadd.s32 $0xFFFFC180  }
0x1d4: {  	_ =	swait.ge [sflag:s22], $0x7D0  }
0x1d5: {  	[sflag:s22] =	ssyncset.done $0x0  }
0x1d6: {  	[sflag:s22] =	ssyncadd.s32 $0xFFFFF830  }
0x1d7: {  	_ =	swait.ge [sflag:s10], $0x7D0  }
0x1d8: {  	[sflag:s10] =	ssyncset.done $0x0  }
0x1d9: {  	[sflag:s10] =	ssyncadd.s32 $0xFFFFF830  }
0x1da: {  	_ =	swait.ge [sflag:s10], $0x7D0  }
0x1db: {  	[sflag:s10] =	ssyncset.done $0x0  }
0x1dc: {  	[sflag:s10] =	ssyncadd.s32 $0xFFFFF830  }
0x1dd: {  	_ =	swait.ge [sflag:s10], $0x7D0  }
0x1de: {  	[sflag:s10] =	ssyncset.done $0x0  }
0x1df: {  	[sflag:s10] =	ssyncadd.s32 $0xFFFFF830  }
0x1e0: {  	[tilespmem:s18], [sflag:$0x2] =	stream.indirect.gather [hbm4b:s0+s30], $0x8, s6, s30, $0xb8;
	[tilespmem:$0x19F10] =	vst v63  }
0x1e1: {  	_ =	swait.ge [sflag:s19], $0x3E80  }
0x1e2: {  	[sflag:s19] =	ssyncset.done $0x0  }
0x1e3: {  	[sflag:s19] =	ssyncadd.s32 $0xFFFFC180  }
0x1e4: {  	[spmem:s4] =	stream.indirect.scatter.add.f32 [tilespmem:s18], [sflag:$0x4], $0x8, s30, s30, $0xb8;
	[tilespmem:$0x19F10] =	vst v63  }
0x1e5: {  	_ = 	snop  }
0x1e6: {  	[spmem:s5] =	stream.indirect.scatter.add.f32 [tilespmem:s31], [sflag:$0x4], $0x1, s30, s30, $0xb8;
	[tilespmem:$0x19F10] =	vst v63  }
0x1e7: {  	_ =	swait.ge [sflag:s20], $0x3E80  }
0x1e8: {  	[sflag:s20] =	ssyncset.done $0x0  }
0x1e9: {  	[sflag:s20] =	ssyncadd.s32 $0xFFFFC180  }
0x1ea: {  	_ =	swait.ge [sflag:s20], $0x7D0  }
0x1eb: {  	[sflag:s20] =	ssyncset.done $0x0  }
0x1ec: {  	[sflag:s20] =	ssyncadd.s32 $0xFFFFF830  }
0x1ed: {  	_ =	swait.ge [sflag:s22], $0x3E80  }
0x1ee: {  	[sflag:s22] =	ssyncset.done $0x0  }
0x1ef: {  	[sflag:s22] =	ssyncadd.s32 $0xFFFFC180  }
0x1f0: {  	_ =	swait.ge [sflag:s22], $0x7D0  }
0x1f1: {  	[sflag:s22] =	ssyncset.done $0x0  }
0x1f2: {  	[sflag:s22] =	ssyncadd.s32 $0xFFFFF830  }
0x1f3: {  	[bflag:$0x0] =	sbarrier.arrive $0xFFFF  }
0x1f4: {  	s11 =	sld [smem:$0x7FA]  }
0x1f5: {  	s25 =	sld [smem:$0x7F2];
	_ =	sdelay $0x1  }
0x1f6: {  	s26 =	simm.s32 $0x8;
	s24 =	rddreg [dreg:$0x19]  }
0x1f7: {  	[hbm:s11], [sflag:s24] =	dma.local [spmem:s25], $0x186A  }
0x1f8: {  	_ =	swait.ge [sflag:s26], $0x186A  }
0x1f9: {  	s11 =	sld [smem:$0x7FB]  }
0x1fa: {  	s25 =	sld [smem:$0x7F3]  }
0x1fb: {  	[sflag:s26] =	ssyncset.done $0x0  }
0x1fc: {  	[sflag:s26] =	ssyncadd.s32 $0xFFFFE796  }
0x1fd: {  	[hbm:s11], [sflag:s24] =	dma.local @!p0 [spmem:s25], $0x30D4  }
0x1fe: {  	s11 =	simm.s32 @!p0 $0x8  }
0x1ff: {  	_ =	swait.ge @!p0 [sflag:s11], $0x30D4  }
0x200: {  	s29 =	sld [smem:$0x7FC];
	_ =	sdelay $0x1  }
0x201: {  	s23 =	sadd.s32 $0x1, s23  }
0x202: {  	p1 =	sne.s32 s23, s29  }
.Ltmp1:
0x203: {  	_ = 	snop;
	(pc) =	sbr.rel @p1 .LBB2_1-.Ltmp1, $3  }
0x204: {  	_ =	sdelay $0x1  }
0x205: {  	[sflag:s11] =	ssyncset.done @!p0 $0x0  }
0x206: {  	[sflag:s11] =	ssyncadd.s32 @!p0 $0xFFFFCF2C  }
0x207: {  	_ =	sfence.sel $0x180000  }
0x208: {  	[bflag:$0x0] =	sbarrier.arrive $0xFFFF  }
0x209: {  	_ =	strace $0x90000047  }
0x20a: {  	[bflag:$0x2] =	sbarrier.arrive $0xFFFF  }
0x20b: {  	s0 =	rddreg [dreg:$0x6]  }
0x20c: {  	s0 =	sadd.s32 @!p0 $0x100000, s0  }
0x20d: {  	[sflag:s0] =	ssyncadd.tile.s32 @!p0 $0x1;
	_ =	shalt  }
.Lfunc_end2:
_tile_overlayer_lowered:
.L_overlay_start_2:
0x20e: {  	(tag) =	ssettag $0x2  }
0x20f: {  	s0 =	rddreg [dreg:$0x0];
	s2 =	stileid.u32  }
0x210: {  	s1 =	rddreg [dreg:$0x1];
	p0 =	sne.s32 s2, $0x0  }
0x211: {  	s3 =	rddreg [dreg:$0x2];
	[bflag:$0x3] =	sbarrier.arrive $0xFFFF;
	s2 =	simm.s32 @!p0 $0x1C08  }
0x212: {  	[timem:s3], [sflag:s2] =	dma.local @!p0 [hbm:s0], s1  }
0x213: {  	s0 =	simm.s32 @!p0 $0x8  }
0x214: {  	_ =	swait.ge @!p0 [sflag:s0], s1  }
0x215: {  	s1 =	ssub.s32 @!p0 $0x0, s1;
	[sflag:s0] =	ssyncset.done @!p0 $0x0  }
0x216: {  	[sflag:s0] =	ssyncadd.s32 @!p0 s1  }
0x217: {  	[bflag:$0x3] =	sbarrier.arrive $0xFFFF  }
0x218: {  	_ =	shalt  }

</sc_bundles>
